<compile_context>
chip_gen: v7x
topology: tpu7x:2x2x1
jax: 0.10.2.dev20260603
libtpu: 0.0.44.dev20260713+nightly
codegen_flags: <defaults>
</compile_context>

<pallas_src>
import functools

import jax
import jax.numpy as jnp
from jax import lax
from jax.experimental import pallas as pl
from jax.experimental.pallas import tpu as pltpu
from jax.experimental.pallas import tpu_sc as plsc

_NC = 2
_NS = 16
_CH = 80


def _make_agg(N, E, D):
    NW = _NC * _NS
    assert E % NW == 0 and (E // NW) % _CH == 0 and N % _NS == 0
    ept = E // NW
    nch = ept // _CH
    assert N % _CH == 0
    nrch = N // _CH
    mesh = plsc.VectorSubcoreMesh(core_axis_name="c", subcore_axis_name="s")

    assert nch % 2 == 1

    @functools.partial(
        pl.kernel,
        mesh=mesh,
        out_type=jax.ShapeDtypeStruct((_NC, N, D), jnp.float32),
        scratch_types=[
            pltpu.VMEM((ept,), jnp.int32),
            pltpu.VMEM((nch, _CH), jnp.int32),
            pltpu.VMEM((_CH, D), jnp.float32),
            pltpu.VMEM((_CH, D), jnp.float32),
            pltpu.VMEM_SHARED((N, D), jnp.float32),
            pltpu.SemaphoreType.DMA,
            pltpu.SemaphoreType.DMA,
            pltpu.SemaphoreType.DMA,
            pltpu.SemaphoreType.DMA,
        ],
    )
    def agg(x_hbm, src_hbm, dst_hbm, out_hbm, src_v, dst_v, rows0, rows1,
            acc_sh, sem0, sem1, ss0, ss1):
        c = lax.axis_index("c")
        s = lax.axis_index("s")
        wid = s * _NC + c

        idx_cp0 = pltpu.async_copy(src_hbm.at[pl.ds(wid * ept, ept)],
                                   src_v, sem0)
        idx_cp1 = pltpu.async_copy(dst_hbm.at[wid], dst_v, sem1)

        zero16 = jnp.zeros((16,), jnp.float32)

        def zfill(i, _):
            rows0[i // (D // 16), pl.ds((i % (D // 16)) * 16, 16)] = zero16
            return 0

        lax.fori_loop(0, _CH * D // 16, zfill, 0)

        nz = (nrch + _NS - 1) // _NS

        def zfire(j, _):
            k = s + j * _NS

            @pl.when(k < nrch)
            def _():
                pltpu.async_copy(rows0, acc_sh.at[pl.ds(k * _CH, _CH)], ss0)

            return 0

        def zdrain(j, _):
            k = s + j * _NS

            @pl.when(k < nrch)
            def _():
                pltpu.make_async_copy(
                    rows0, acc_sh.at[pl.ds(k * _CH, _CH)], ss0).wait()

            return 0

        lax.fori_loop(0, nz, zfire, 0)
        lax.fori_loop(0, nz, zdrain, 0)
        idx_cp0.wait()
        idx_cp1.wait()
        plsc.subcore_barrier()

        def sidx(j):
            return src_v.at[pl.ds(j * _CH, _CH)]

        pltpu.async_copy(x_hbm.at[sidx(0)], rows0, sem0)
        pltpu.async_copy(x_hbm.at[sidx(1)], rows1, sem1)

        def pair(i, _):
            j = 2 * i
            pltpu.make_async_copy(x_hbm.at[sidx(j)], rows0, sem0).wait()
            pltpu.async_copy(rows0, acc_sh.at[dst_v.at[j]], ss0, add=True)
            pltpu.make_async_copy(x_hbm.at[sidx(j + 1)], rows1, sem1).wait()
            pltpu.async_copy(rows1, acc_sh.at[dst_v.at[j + 1]], ss1, add=True)
            pltpu.make_async_copy(rows0, acc_sh.at[dst_v.at[j]], ss0).wait()
            pltpu.async_copy(x_hbm.at[sidx(j + 2)], rows0, sem0)
            pltpu.make_async_copy(rows1, acc_sh.at[dst_v.at[j + 1]],
                                  ss1).wait()

            @pl.when(j + 3 < nch)
            def _():
                pltpu.async_copy(x_hbm.at[sidx(j + 3)], rows1, sem1)

            return 0

        lax.fori_loop(0, (nch - 1) // 2, pair, 0)
        pltpu.make_async_copy(x_hbm.at[sidx(nch - 1)], rows0, sem0).wait()
        pltpu.sync_copy(rows0, acc_sh.at[dst_v.at[nch - 1]], add=True)
        plsc.subcore_barrier()

        bufs = (rows0, rows1)
        lsems = (sem0, sem1)
        wsems = (ss0, ss1)
        for j in range(nz):
            k = s + j * _NS
            b, ls, ws = bufs[j % 2], lsems[j % 2], wsems[j % 2]

            if j >= 2:

                @pl.when(k - 2 * _NS < nrch)
                def _(k=k, b=b, ws=ws):
                    rp = (k - 2 * _NS) * _CH
                    pltpu.make_async_copy(
                        b, out_hbm.at[c, pl.ds(rp, _CH)], ws).wait()

            @pl.when(k < nrch)
            def _(k=k, b=b, ls=ls, ws=ws):
                rr = k * _CH
                pltpu.async_copy(acc_sh.at[pl.ds(rr, _CH)], b, ls)
                pltpu.make_async_copy(
                    acc_sh.at[pl.ds(rr, _CH)], b, ls).wait()
                pltpu.async_copy(b, out_hbm.at[c, pl.ds(rr, _CH)], ws)

        for j in range(max(0, nz - 2), nz):
            k = s + j * _NS
            b, ws = bufs[j % 2], wsems[j % 2]

            @pl.when(k < nrch)
            def _(k=k, b=b, ws=ws):
                pltpu.make_async_copy(
                    b, out_hbm.at[c, pl.ds(k * _CH, _CH)], ws).wait()

    return agg


def _final(x, p0, p1, deg_inv, W):
    N, D = x.shape
    DO = W.shape[1]
    B = 2000
    assert N % B == 0

    def body(x_ref, p0_ref, p1_ref, dinv_ref, w_ref, o_ref):
        az = x_ref[...] + p0_ref[...] + p1_ref[...]
        azw = jnp.dot(az, w_ref[...], preferred_element_type=jnp.float32)
        o_ref[...] = jnp.tanh(dinv_ref[...] * azw)

    return pl.pallas_call(
        body,
        grid=(N // B,),
        in_specs=[
            pl.BlockSpec((B, D), lambda i: (i, 0)),
            pl.BlockSpec((B, D), lambda i: (i, 0)),
            pl.BlockSpec((B, D), lambda i: (i, 0)),
            pl.BlockSpec((B, 1), lambda i: (i, 0)),
            pl.BlockSpec((D, DO), lambda i: (0, 0)),
        ],
        out_specs=pl.BlockSpec((B, DO), lambda i: (i, 0)),
        out_shape=jax.ShapeDtypeStruct((N, DO), jnp.float32),
    )(x, p0, p1, deg_inv.reshape(N, 1), W)


def kernel(x, edge_index, deg_inv, W):
    N, D = x.shape
    E = edge_index.shape[1]
    NW = _NC * _NS
    nch = E // NW // _CH
    dst3 = edge_index[0].reshape(NW, nch, _CH)
    parts = _make_agg(N, E, D)(x, edge_index[1], dst3)
    return _final(x, parts[0], parts[1], deg_inv, W)

# --- scband reference (transcript-rebuilt; emitter-appended) ---
"""Pipeline reference for scband-gcnlayer-63127429317156 (READ-ONLY COPY).

The authoritative reference and input builder live on the scoring server;
editing this copy changes nothing except your own understanding.
"""

import jax, jax.numpy as jnp
import numpy as np

N = 10000
E = 320000
D_IN = 128
D_OUT = 128


def setup_inputs(seed: int = 0) -> dict:
    key = jax.random.key(seed)
    k1, k2, k3, k4 = jax.random.split(key, 4)
    x = jax.random.normal(k1, (N, D_IN), dtype=jnp.float32)
    edge_index = jax.random.randint(k2, (2, E), 0, N, dtype=jnp.int32)
    deg_inv = jax.random.uniform(k3, (N,), dtype=jnp.float32)
    # learned weight W per keras add_weight(shape=(in_dim, out_dim), initializer='uniform')
    W = jax.random.uniform(k4, (D_IN, D_OUT), minval=-0.05, maxval=0.05, dtype=jnp.float32)
    return {"x": x, "edge_index": edge_index, "deg_inv": deg_inv, "W": W}


def reference(x, edge_index, deg_inv, W):
    # batch_adjacent represented as COO edge list: row = edge_index[0] (dst), col = edge_index[1] (src), values = 1.0
    # AZ = tf.sparse.sparse_dense_matmul(A, Z)  ->  scatter-add of gathered rows
    dst = edge_index[0]
    src = edge_index[1]
    AZ = jax.ops.segment_sum(jnp.take(x, src, axis=0), dst, num_segments=N)
    # AZ = AZ + Z  (self-connection)
    AZ = AZ + x
    # AZW = AZ @ W
    AZW = jnp.matmul(AZ, W)
    # DAZW = D_inv @ AZW where D_inv is diagonal -> row scaling
    DAZW = deg_inv[:, None] * AZW
    return jnp.tanh(DAZW)

if __name__ == "__main__":
    import jax
    _d = setup_inputs()
    print(jax.jit(kernel)(*tuple(_d.values())))

</pallas_src>

<mosaic_0001>
#map = affine_map<(d0, d1) -> (0, 0)>
#map1 = affine_map<(d0, d1) -> (0)>
#map2 = affine_map<(d0, d1) -> (0, 0, 0)>
module attributes {stable_mosaic.version = 14 : i64} {
  func.func @agg(%arg0: i32, %arg1: i32, %arg2: memref<10000x128xf32, #tpu.memory_space<hbm>>, %arg3: memref<320000xi32, #tpu.memory_space<hbm>>, %arg4: memref<32x125x80xi32, #tpu.memory_space<hbm>>, %arg5: memref<2x10000x128xf32, #tpu.memory_space<hbm>>, %arg6: memref<10000xi32, #tpu.memory_space<vmem>>, %arg7: memref<125x80xi32, #tpu.memory_space<vmem>>, %arg8: memref<80x128xf32, #tpu.memory_space<vmem>>, %arg9: memref<80x128xf32, #tpu.memory_space<vmem>>, %arg10: memref<10000x128xf32, #tpu.memory_space<vmem_shared>>, %arg11: memref<!tpu.dma_semaphore, #tpu.memory_space<semaphore_mem>>, %arg12: memref<!tpu.dma_semaphore, #tpu.memory_space<semaphore_mem>>, %arg13: memref<!tpu.dma_semaphore, #tpu.memory_space<semaphore_mem>>, %arg14: memref<!tpu.dma_semaphore, #tpu.memory_space<semaphore_mem>>) attributes {dimension_semantics = [#tpu.dimension_semantics<core_parallel>, #tpu.dimension_semantics<subcore_parallel>], iteration_bounds = array<i64: 2, 16>, scalar_prefetch = 0 : i64, scratch_operands = 9 : i64, tpu.core_type = #tpu.core_type<sc_vector_subcore>, window_params = [{transform_indices = #map}, {transform_indices = #map1}, {transform_indices = #map2}, {transform_indices = #map2}]} {
    %mul3A = arith.constant 2 : i32
    %mul3A_0 = arith.muli %arg1, %mul3A : i32
    %add3A = arith.addi %mul3A_0, %arg0 : i32
    %mul3A_1 = arith.constant 10000 : i32
    %mul3A_2 = arith.muli %add3A, %mul3A_1 : i32
    %dma_start3A = tpu.memref_slice %arg3[%mul3A_2] : memref<320000xi32, #tpu.memory_space<hbm>> -> memref<10000xi32, #tpu.memory_space<hbm>>
    %dma_start3A_3 = tpu.memref_slice %arg3[%mul3A_2] : memref<320000xi32, #tpu.memory_space<hbm>> -> memref<10000xi32, #tpu.memory_space<hbm>>
    tpu.enqueue_dma source(%dma_start3A_3 : memref<10000xi32, #tpu.memory_space<hbm>>) target(%arg6 : memref<10000xi32, #tpu.memory_space<vmem>>) target_semaphore(%arg11 : memref<!tpu.dma_semaphore, #tpu.memory_space<semaphore_mem>>)
    %dma_start3A_4 = arith.constant 0 : i32
    %dma_start3A_5 = arith.constant 0 : i32
    %dma_start3A_6 = tpu.memref_slice %arg4[%add3A, %dma_start3A_4, %dma_start3A_5] : memref<32x125x80xi32, #tpu.memory_space<hbm>> -> memref<1x125x80xi32, #tpu.memory_space<hbm>>
    %dma_start3A_7 = tpu.memref_squeeze %dma_start3A_6 : memref<1x125x80xi32, #tpu.memory_space<hbm>> -> memref<125x80xi32, #tpu.memory_space<hbm>>
    %dma_start3A_8 = arith.constant 0 : i32
    %dma_start3A_9 = arith.constant 0 : i32
    %dma_start3A_10 = tpu.memref_slice %arg4[%add3A, %dma_start3A_8, %dma_start3A_9] : memref<32x125x80xi32, #tpu.memory_space<hbm>> -> memref<1x125x80xi32, #tpu.memory_space<hbm>>
    %dma_start3A_11 = tpu.memref_squeeze %dma_start3A_10 : memref<1x125x80xi32, #tpu.memory_space<hbm>> -> memref<125x80xi32, #tpu.memory_space<hbm>>
    tpu.enqueue_dma source(%dma_start3A_11 : memref<125x80xi32, #tpu.memory_space<hbm>>) target(%arg7 : memref<125x80xi32, #tpu.memory_space<vmem>>) target_semaphore(%arg12 : memref<!tpu.dma_semaphore, #tpu.memory_space<semaphore_mem>>)
    %broadcast_in_dim3A = arith.constant 0.000000e+00 : f32
    %broadcast_in_dim3A_12 = vector.broadcast %broadcast_in_dim3A : f32 to vector<16xf32>
    %scan3A = arith.constant 0 : i32
    %scan3A_13 = arith.constant 0 : i32
    %scan3A_14 = arith.constant 640 : i32
    %scan3A_15 = arith.addi %scan3A_13, %scan3A_14 : i32
    %scan3A_16 = arith.constant 1 : i32
    %scan3A_17 = scf.for %scan3A_173 = %scan3A_13 to %scan3A_15 step %scan3A_16 iter_args(%scan3A_174 = %scan3A) -> (i32)  : i32 {
      %jit3A = arith.constant 8 : i32
      %div3A = arith.divsi %scan3A_173, %jit3A : i32
      %sign3A = arith.constant 0 : i32
      %sign3A_175 = arith.cmpi sgt, %scan3A_173, %sign3A : i32
      %sign3A_176 = arith.extui %sign3A_175 : i1 to i32
      %sign3A_177 = arith.constant 0 : i32
      %sign3A_178 = arith.cmpi slt, %scan3A_173, %sign3A_177 : i32
      %sign3A_179 = arith.extui %sign3A_178 : i1 to i32
      %sign3A_180 = arith.subi %sign3A_176, %sign3A_179 : i32
      %sign3A_181 = arith.constant 0 : i32
      %sign3A_182 = arith.cmpi sgt, %jit3A, %sign3A_181 : i32
      %sign3A_183 = arith.extui %sign3A_182 : i1 to i32
      %sign3A_184 = arith.constant 0 : i32
      %sign3A_185 = arith.cmpi slt, %jit3A, %sign3A_184 : i32
      %sign3A_186 = arith.extui %sign3A_185 : i1 to i32
      %sign3A_187 = arith.subi %sign3A_183, %sign3A_186 : i32
      %ne3A = arith.cmpi ne, %sign3A_180, %sign3A_187 : i32
      %rem3A = arith.remsi %scan3A_173, %jit3A : i32
      %ne3A_188 = arith.constant 0 : i32
      %ne3A_189 = arith.cmpi ne, %rem3A, %ne3A_188 : i32
      %and3A = arith.andi %ne3A, %ne3A_189 : i1
      %sub3A_190 = arith.constant 1 : i32
      %sub3A_191 = arith.subi %div3A, %sub3A_190 : i32
      %select_n3A = arith.select %and3A, %sub3A_191, %div3A : i32
      %jit3A_192 = arith.constant 8 : i32
      %eq3A = arith.constant 0 : i32
      %eq3A_193 = arith.cmpi eq, %jit3A_192, %eq3A : i32
      %jit3A_194 = arith.constant 1 : i32
      %select_n3A_195 = arith.select %eq3A_193, %jit3A_194, %jit3A_192 : i32
      %rem3A_196 = arith.remsi %scan3A_173, %select_n3A_195 : i32
      %ne3A_197 = arith.constant 0 : i32
      %ne3A_198 = arith.cmpi ne, %rem3A_196, %ne3A_197 : i32
      %lt3A_199 = arith.constant 0 : i32
      %lt3A_200 = arith.cmpi slt, %rem3A_196, %lt3A_199 : i32
      %lt3A_201 = arith.constant 0 : i32
      %lt3A_202 = arith.cmpi slt, %select_n3A_195, %lt3A_201 : i32
      %ne3A_203 = arith.xori %lt3A_200, %lt3A_202 : i1
      %and3A_204 = arith.andi %ne3A_203, %ne3A_198 : i1
      %add3A_205 = arith.addi %rem3A_196, %select_n3A_195 : i32
      %select_n3A_206 = arith.select %and3A_204, %add3A_205, %rem3A_196 : i32
      %mul3A_207 = arith.constant 16 : i32
      %mul3A_208 = arith.muli %select_n3A_206, %mul3A_207 : i32
      %swap3A = arith.index_cast %select_n3A : i32 to index
      %swap3A_209 = arith.index_cast %mul3A_208 : i32 to index
      %swap3A_210 = tpu.vector_load %arg8[%swap3A, %swap3A_209] {strides = array<i32>} : memref<80x128xf32, #tpu.memory_space<vmem>>, vector<1x16xf32>,
      %swap3A_211 = vector.shape_cast %swap3A_210 : vector<1x16xf32> to vector<16xf32>
      %swap3A_212 = vector.shape_cast %broadcast_in_dim3A_12 : vector<16xf32> to vector<1x16xf32>
      tpu.vector_store %arg8[%swap3A, %swap3A_209], %swap3A_212 {strides = array<i32>} : memref<80x128xf32, #tpu.memory_space<vmem>>, vector<1x16xf32>,
      %scan3A_213 = arith.constant 0 : i32
      scf.yield %scan3A_213 : i32
    }
    %scan3A_18 = arith.constant 640 : i32
    %scan3A_19 = arith.constant 0 : i32
    %scan3A_20 = arith.constant 0 : i32
    %scan3A_21 = arith.constant 8 : i32
    %scan3A_22 = arith.addi %scan3A_20, %scan3A_21 : i32
    %scan3A_23 = arith.constant 1 : i32
    %scan3A_24 = scf.for %scan3A_173 = %scan3A_20 to %scan3A_22 step %scan3A_23 iter_args(%scan3A_174 = %scan3A_19) -> (i32)  : i32 {
      %mul3A_175 = arith.constant 16 : i32
      %mul3A_176 = arith.muli %scan3A_173, %mul3A_175 : i32
      %add3A_177 = arith.addi %arg1, %mul3A_176 : i32
      %lt3A_178 = arith.constant 125 : i32
      %lt3A_179 = arith.cmpi slt, %add3A_177, %lt3A_178 : i32
      %convert_element_type3A_180 = arith.extui %lt3A_179 : i1 to i32
      %cond3A_181 = arith.constant 0 : i32
      %cond3A_182 = arith.cmpi ne, %convert_element_type3A_180, %cond3A_181 : i32
      scf.if %cond3A_182 {
        %mul3A_184 = arith.constant 80 : i32
        %mul3A_185 = arith.muli %add3A_177, %mul3A_184 : i32
        %dma_start3A_186 = arith.constant 0 : i32
        %dma_start3A_187 = tpu.memref_slice %arg10[%mul3A_185, %dma_start3A_186] : memref<10000x128xf32, #tpu.memory_space<vmem_shared>> -> memref<80x128xf32, #tpu.memory_space<vmem_shared>>
        %dma_start3A_188 = arith.constant 0 : i32
        %dma_start3A_189 = tpu.memref_slice %arg10[%mul3A_185, %dma_start3A_188] : memref<10000x128xf32, #tpu.memory_space<vmem_shared>> -> memref<80x128xf32, #tpu.memory_space<vmem_shared>>
        tpu.enqueue_dma source(%arg8 : memref<80x128xf32, #tpu.memory_space<vmem>>) target(%dma_start3A_189 : memref<80x128xf32, #tpu.memory_space<vmem_shared>>) target_semaphore(%arg13 : memref<!tpu.dma_semaphore, #tpu.memory_space<semaphore_mem>>)
      } else {
      }
      %scan3A_183 = arith.constant 0 : i32
      scf.yield %scan3A_183 : i32
    }
    %scan3A_25 = arith.constant 8 : i32
    %scan3A_26 = arith.constant 0 : i32
    %scan3A_27 = arith.constant 0 : i32
    %scan3A_28 = arith.constant 8 : i32
    %scan3A_29 = arith.addi %scan3A_27, %scan3A_28 : i32
    %scan3A_30 = arith.constant 1 : i32
    %scan3A_31 = scf.for %scan3A_173 = %scan3A_27 to %scan3A_29 step %scan3A_30 iter_args(%scan3A_174 = %scan3A_26) -> (i32)  : i32 {
      %mul3A_175 = arith.constant 16 : i32
      %mul3A_176 = arith.muli %scan3A_173, %mul3A_175 : i32
      %add3A_177 = arith.addi %arg1, %mul3A_176 : i32
      %lt3A_178 = arith.constant 125 : i32
      %lt3A_179 = arith.cmpi slt, %add3A_177, %lt3A_178 : i32
      %convert_element_type3A_180 = arith.extui %lt3A_179 : i1 to i32
      %cond3A_181 = arith.constant 0 : i32
      %cond3A_182 = arith.cmpi ne, %convert_element_type3A_180, %cond3A_181 : i32
      scf.if %cond3A_182 {
        %mul3A_184 = arith.constant 80 : i32
        %mul3A_185 = arith.muli %add3A_177, %mul3A_184 : i32
        %dma_wait3A_186 = arith.constant 0 : i32
        %dma_wait3A_187 = tpu.memref_slice %arg10[%mul3A_185, %dma_wait3A_186] : memref<10000x128xf32, #tpu.memory_space<vmem_shared>> -> memref<80x128xf32, #tpu.memory_space<vmem_shared>>
        %dma_wait3A_188 = arith.constant 0 : i32
        %dma_wait3A_189 = tpu.memref_slice %arg10[%mul3A_185, %dma_wait3A_188] : memref<10000x128xf32, #tpu.memory_space<vmem_shared>> -> memref<80x128xf32, #tpu.memory_space<vmem_shared>>
        tpu.wait_dma2 semaphore(%arg13 : memref<!tpu.dma_semaphore, #tpu.memory_space<semaphore_mem>>) src(%arg8 : memref<80x128xf32, #tpu.memory_space<vmem>>) dst(%dma_wait3A_189 : memref<80x128xf32, #tpu.memory_space<vmem_shared>>)
      } else {
      }
      %scan3A_183 = arith.constant 0 : i32
      scf.yield %scan3A_183 : i32
    }
    %scan3A_32 = arith.constant 8 : i32
    %dma_wait3A = tpu.memref_slice %arg3[%mul3A_2] : memref<320000xi32, #tpu.memory_space<hbm>> -> memref<10000xi32, #tpu.memory_space<hbm>>
    %dma_wait3A_33 = tpu.memref_slice %arg3[%mul3A_2] : memref<320000xi32, #tpu.memory_space<hbm>> -> memref<10000xi32, #tpu.memory_space<hbm>>
    tpu.wait_dma2 semaphore(%arg11 : memref<!tpu.dma_semaphore, #tpu.memory_space<semaphore_mem>>) src(%dma_wait3A_33 : memref<10000xi32, #tpu.memory_space<hbm>>) dst(%arg6 : memref<10000xi32, #tpu.memory_space<vmem>>)
    %dma_wait3A_34 = arith.constant 0 : i32
    %dma_wait3A_35 = arith.constant 0 : i32
    %dma_wait3A_36 = tpu.memref_slice %arg4[%add3A, %dma_wait3A_34, %dma_wait3A_35] : memref<32x125x80xi32, #tpu.memory_space<hbm>> -> memref<1x125x80xi32, #tpu.memory_space<hbm>>
    %dma_wait3A_37 = tpu.memref_squeeze %dma_wait3A_36 : memref<1x125x80xi32, #tpu.memory_space<hbm>> -> memref<125x80xi32, #tpu.memory_space<hbm>>
    %dma_wait3A_38 = arith.constant 0 : i32
    %dma_wait3A_39 = arith.constant 0 : i32
    %dma_wait3A_40 = tpu.memref_slice %arg4[%add3A, %dma_wait3A_38, %dma_wait3A_39] : memref<32x125x80xi32, #tpu.memory_space<hbm>> -> memref<1x125x80xi32, #tpu.memory_space<hbm>>
    %dma_wait3A_41 = tpu.memref_squeeze %dma_wait3A_40 : memref<1x125x80xi32, #tpu.memory_space<hbm>> -> memref<125x80xi32, #tpu.memory_space<hbm>>
    tpu.wait_dma2 semaphore(%arg12 : memref<!tpu.dma_semaphore, #tpu.memory_space<semaphore_mem>>) src(%dma_wait3A_41 : memref<125x80xi32, #tpu.memory_space<hbm>>) dst(%arg7 : memref<125x80xi32, #tpu.memory_space<vmem>>)
    %barrier3A = arith.constant 0 : index
    tpu.barrier barrier_id(%barrier3A)
    %dma_start3A_42 = arith.constant 0 : i32
    %dma_start3A_43 = tpu.memref_slice %arg6[%dma_start3A_42] : memref<10000xi32, #tpu.memory_space<vmem>> -> memref<80xi32, #tpu.memory_space<vmem>>
    %dma_start3A_44 = arith.constant 0 : i32
    %dma_start3A_45 = arith.constant 0 : i32
    %dma_start3A_46 = tpu.memref_slice %arg2[%dma_start3A_44, %dma_start3A_45] : memref<10000x128xf32, #tpu.memory_space<hbm>> -> memref<10000x128xf32, #tpu.memory_space<hbm>>
    tpu.enqueue_indirect_dma source(%dma_start3A_46 : memref<10000x128xf32, #tpu.memory_space<hbm>>) target(%arg8 : memref<80x128xf32, #tpu.memory_space<vmem>>) offsets(%dma_start3A_43 : memref<80xi32, #tpu.memory_space<vmem>>) semaphore(%arg11 : memref<!tpu.dma_semaphore, #tpu.memory_space<semaphore_mem>>)
    %dma_start3A_47 = arith.constant 80 : i32
    %dma_start3A_48 = tpu.memref_slice %arg6[%dma_start3A_47] : memref<10000xi32, #tpu.memory_space<vmem>> -> memref<80xi32, #tpu.memory_space<vmem>>
    %dma_start3A_49 = arith.constant 0 : i32
    %dma_start3A_50 = arith.constant 0 : i32
    %dma_start3A_51 = tpu.memref_slice %arg2[%dma_start3A_49, %dma_start3A_50] : memref<10000x128xf32, #tpu.memory_space<hbm>> -> memref<10000x128xf32, #tpu.memory_space<hbm>>
    tpu.enqueue_indirect_dma source(%dma_start3A_51 : memref<10000x128xf32, #tpu.memory_space<hbm>>) target(%arg9 : memref<80x128xf32, #tpu.memory_space<vmem>>) offsets(%dma_start3A_48 : memref<80xi32, #tpu.memory_space<vmem>>) semaphore(%arg12 : memref<!tpu.dma_semaphore, #tpu.memory_space<semaphore_mem>>)
    %scan3A_52 = arith.constant 0 : i32
    %scan3A_53 = arith.constant 0 : i32
    %scan3A_54 = arith.constant 62 : i32
    %scan3A_55 = arith.addi %scan3A_53, %scan3A_54 : i32
    %scan3A_56 = arith.constant 1 : i32
    %scan3A_57 = scf.for %scan3A_173 = %scan3A_53 to %scan3A_55 step %scan3A_56 iter_args(%scan3A_174 = %scan3A_52) -> (i32)  : i32 {
      %mul3A_175 = arith.constant 2 : i32
      %mul3A_176 = arith.muli %mul3A_175, %scan3A_173 : i32
      %mul3A_177 = arith.constant 80 : i32
      %mul3A_178 = arith.muli %mul3A_176, %mul3A_177 : i32
      %dma_wait3A_179 = tpu.memref_slice %arg6[%mul3A_178] : memref<10000xi32, #tpu.memory_space<vmem>> -> memref<80xi32, #tpu.memory_space<vmem>>
      %dma_wait3A_180 = arith.constant 0 : i32
      %dma_wait3A_181 = arith.constant 0 : i32
      %dma_wait3A_182 = tpu.memref_slice %arg2[%dma_wait3A_180, %dma_wait3A_181] : memref<10000x128xf32, #tpu.memory_space<hbm>> -> memref<10000x128xf32, #tpu.memory_space<hbm>>
      tpu.wait_indirect_dma semaphore(%arg11 : memref<!tpu.dma_semaphore, #tpu.memory_space<semaphore_mem>>) src(%dma_wait3A_182 : memref<10000x128xf32, #tpu.memory_space<hbm>>) dst(%arg8 : memref<80x128xf32, #tpu.memory_space<vmem>>)
      %dma_start3A_183 = arith.constant 0 : i32
      %dma_start3A_184 = tpu.memref_slice %arg7[%mul3A_176, %dma_start3A_183] : memref<125x80xi32, #tpu.memory_space<vmem>> -> memref<1x80xi32, #tpu.memory_space<vmem>>
      %dma_start3A_185 = tpu.memref_squeeze %dma_start3A_184 : memref<1x80xi32, #tpu.memory_space<vmem>> -> memref<80xi32, #tpu.memory_space<vmem>>
      %dma_start3A_186 = arith.constant 0 : i32
      %dma_start3A_187 = arith.constant 0 : i32
      %dma_start3A_188 = tpu.memref_slice %arg10[%dma_start3A_186, %dma_start3A_187] : memref<10000x128xf32, #tpu.memory_space<vmem_shared>> -> memref<10000x128xf32, #tpu.memory_space<vmem_shared>>
      tpu.enqueue_indirect_dma source(%arg8 : memref<80x128xf32, #tpu.memory_space<vmem>>) target(%dma_start3A_188 : memref<10000x128xf32, #tpu.memory_space<vmem_shared>>) offsets(%dma_start3A_185 : memref<80xi32, #tpu.memory_space<vmem>>) semaphore(%arg13 : memref<!tpu.dma_semaphore, #tpu.memory_space<semaphore_mem>>) {add = true}
      %add3A_189 = arith.constant 1 : i32
      %add3A_190 = arith.addi %mul3A_176, %add3A_189 : i32
      %mul3A_191 = arith.constant 80 : i32
      %mul3A_192 = arith.muli %add3A_190, %mul3A_191 : i32
      %dma_wait3A_193 = tpu.memref_slice %arg6[%mul3A_192] : memref<10000xi32, #tpu.memory_space<vmem>> -> memref<80xi32, #tpu.memory_space<vmem>>
      %dma_wait3A_194 = arith.constant 0 : i32
      %dma_wait3A_195 = arith.constant 0 : i32
      %dma_wait3A_196 = tpu.memref_slice %arg2[%dma_wait3A_194, %dma_wait3A_195] : memref<10000x128xf32, #tpu.memory_space<hbm>> -> memref<10000x128xf32, #tpu.memory_space<hbm>>
      tpu.wait_indirect_dma semaphore(%arg12 : memref<!tpu.dma_semaphore, #tpu.memory_space<semaphore_mem>>) src(%dma_wait3A_196 : memref<10000x128xf32, #tpu.memory_space<hbm>>) dst(%arg9 : memref<80x128xf32, #tpu.memory_space<vmem>>)
      %add3A_197 = arith.constant 1 : i32
      %add3A_198 = arith.addi %mul3A_176, %add3A_197 : i32
      %dma_start3A_199 = arith.constant 0 : i32
      %dma_start3A_200 = tpu.memref_slice %arg7[%add3A_198, %dma_start3A_199] : memref<125x80xi32, #tpu.memory_space<vmem>> -> memref<1x80xi32, #tpu.memory_space<vmem>>
      %dma_start3A_201 = tpu.memref_squeeze %dma_start3A_200 : memref<1x80xi32, #tpu.memory_space<vmem>> -> memref<80xi32, #tpu.memory_space<vmem>>
      %dma_start3A_202 = arith.constant 0 : i32
      %dma_start3A_203 = arith.constant 0 : i32
      %dma_start3A_204 = tpu.memref_slice %arg10[%dma_start3A_202, %dma_start3A_203] : memref<10000x128xf32, #tpu.memory_space<vmem_shared>> -> memref<10000x128xf32, #tpu.memory_space<vmem_shared>>
      tpu.enqueue_indirect_dma source(%arg9 : memref<80x128xf32, #tpu.memory_space<vmem>>) target(%dma_start3A_204 : memref<10000x128xf32, #tpu.memory_space<vmem_shared>>) offsets(%dma_start3A_201 : memref<80xi32, #tpu.memory_space<vmem>>) semaphore(%arg14 : memref<!tpu.dma_semaphore, #tpu.memory_space<semaphore_mem>>) {add = true}
      %dma_wait3A_205 = arith.constant 0 : i32
      %dma_wait3A_206 = tpu.memref_slice %arg7[%mul3A_176, %dma_wait3A_205] : memref<125x80xi32, #tpu.memory_space<vmem>> -> memref<1x80xi32, #tpu.memory_space<vmem>>
      %dma_wait3A_207 = tpu.memref_squeeze %dma_wait3A_206 : memref<1x80xi32, #tpu.memory_space<vmem>> -> memref<80xi32, #tpu.memory_space<vmem>>
      %dma_wait3A_208 = arith.constant 0 : i32
      %dma_wait3A_209 = arith.constant 0 : i32
      %dma_wait3A_210 = tpu.memref_slice %arg10[%dma_wait3A_208, %dma_wait3A_209] : memref<10000x128xf32, #tpu.memory_space<vmem_shared>> -> memref<10000x128xf32, #tpu.memory_space<vmem_shared>>
      tpu.wait_indirect_dma semaphore(%arg13 : memref<!tpu.dma_semaphore, #tpu.memory_space<semaphore_mem>>) src(%arg8 : memref<80x128xf32, #tpu.memory_space<vmem>>) dst(%dma_wait3A_210 : memref<10000x128xf32, #tpu.memory_space<vmem_shared>>)
      %add3A_211 = arith.constant 2 : i32
      %add3A_212 = arith.addi %mul3A_176, %add3A_211 : i32
      %mul3A_213 = arith.constant 80 : i32
      %mul3A_214 = arith.muli %add3A_212, %mul3A_213 : i32
      %dma_start3A_215 = tpu.memref_slice %arg6[%mul3A_214] : memref<10000xi32, #tpu.memory_space<vmem>> -> memref<80xi32, #tpu.memory_space<vmem>>
      %dma_start3A_216 = arith.constant 0 : i32
      %dma_start3A_217 = arith.constant 0 : i32
      %dma_start3A_218 = tpu.memref_slice %arg2[%dma_start3A_216, %dma_start3A_217] : memref<10000x128xf32, #tpu.memory_space<hbm>> -> memref<10000x128xf32, #tpu.memory_space<hbm>>
      tpu.enqueue_indirect_dma source(%dma_start3A_218 : memref<10000x128xf32, #tpu.memory_space<hbm>>) target(%arg8 : memref<80x128xf32, #tpu.memory_space<vmem>>) offsets(%dma_start3A_215 : memref<80xi32, #tpu.memory_space<vmem>>) semaphore(%arg11 : memref<!tpu.dma_semaphore, #tpu.memory_space<semaphore_mem>>)
      %add3A_219 = arith.constant 1 : i32
      %add3A_220 = arith.addi %mul3A_176, %add3A_219 : i32
      %dma_wait3A_221 = arith.constant 0 : i32
      %dma_wait3A_222 = tpu.memref_slice %arg7[%add3A_220, %dma_wait3A_221] : memref<125x80xi32, #tpu.memory_space<vmem>> -> memref<1x80xi32, #tpu.memory_space<vmem>>
      %dma_wait3A_223 = tpu.memref_squeeze %dma_wait3A_222 : memref<1x80xi32, #tpu.memory_space<vmem>> -> memref<80xi32, #tpu.memory_space<vmem>>
      %dma_wait3A_224 = arith.constant 0 : i32
      %dma_wait3A_225 = arith.constant 0 : i32
      %dma_wait3A_226 = tpu.memref_slice %arg10[%dma_wait3A_224, %dma_wait3A_225] : memref<10000x128xf32, #tpu.memory_space<vmem_shared>> -> memref<10000x128xf32, #tpu.memory_space<vmem_shared>>
      tpu.wait_indirect_dma semaphore(%arg14 : memref<!tpu.dma_semaphore, #tpu.memory_space<semaphore_mem>>) src(%arg9 : memref<80x128xf32, #tpu.memory_space<vmem>>) dst(%dma_wait3A_226 : memref<10000x128xf32, #tpu.memory_space<vmem_shared>>)
      %add3A_227 = arith.constant 3 : i32
      %add3A_228 = arith.addi %mul3A_176, %add3A_227 : i32
      %lt3A_229 = arith.constant 125 : i32
      %lt3A_230 = arith.cmpi slt, %add3A_228, %lt3A_229 : i32
      %convert_element_type3A_231 = arith.extui %lt3A_230 : i1 to i32
      %cond3A_232 = arith.constant 0 : i32
      %cond3A_233 = arith.cmpi ne, %convert_element_type3A_231, %cond3A_232 : i32
      scf.if %cond3A_233 {
        %add3A_235 = arith.constant 3 : i32
        %add3A_236 = arith.addi %mul3A_176, %add3A_235 : i32
        %mul3A_237 = arith.constant 80 : i32
        %mul3A_238 = arith.muli %add3A_236, %mul3A_237 : i32
        %dma_start3A_239 = tpu.memref_slice %arg6[%mul3A_238] : memref<10000xi32, #tpu.memory_space<vmem>> -> memref<80xi32, #tpu.memory_space<vmem>>
        %dma_start3A_240 = arith.constant 0 : i32
        %dma_start3A_241 = arith.constant 0 : i32
        %dma_start3A_242 = tpu.memref_slice %arg2[%dma_start3A_240, %dma_start3A_241] : memref<10000x128xf32, #tpu.memory_space<hbm>> -> memref<10000x128xf32, #tpu.memory_space<hbm>>
        tpu.enqueue_indirect_dma source(%dma_start3A_242 : memref<10000x128xf32, #tpu.memory_space<hbm>>) target(%arg9 : memref<80x128xf32, #tpu.memory_space<vmem>>) offsets(%dma_start3A_239 : memref<80xi32, #tpu.memory_space<vmem>>) semaphore(%arg12 : memref<!tpu.dma_semaphore, #tpu.memory_space<semaphore_mem>>)
      } else {
      }
      %scan3A_234 = arith.constant 0 : i32
      scf.yield %scan3A_234 : i32
    }
    %scan3A_58 = arith.constant 62 : i32
    %dma_wait3A_59 = arith.constant 9920 : i32
    %dma_wait3A_60 = tpu.memref_slice %arg6[%dma_wait3A_59] : memref<10000xi32, #tpu.memory_space<vmem>> -> memref<80xi32, #tpu.memory_space<vmem>>
    %dma_wait3A_61 = arith.constant 0 : i32
    %dma_wait3A_62 = arith.constant 0 : i32
    %dma_wait3A_63 = tpu.memref_slice %arg2[%dma_wait3A_61, %dma_wait3A_62] : memref<10000x128xf32, #tpu.memory_space<hbm>> -> memref<10000x128xf32, #tpu.memory_space<hbm>>
    tpu.wait_indirect_dma semaphore(%arg11 : memref<!tpu.dma_semaphore, #tpu.memory_space<semaphore_mem>>) src(%dma_wait3A_63 : memref<10000x128xf32, #tpu.memory_space<hbm>>) dst(%arg8 : memref<80x128xf32, #tpu.memory_space<vmem>>)
    %run_scoped3A = arith.constant 124 : i32
    "tpu.region"() ({
      %run_scoped3A_173 = tpu.sem_alloc : memref<!tpu.dma_semaphore, #tpu.memory_space<semaphore_mem>>
      %dma_start3A_174 = arith.constant 0 : i32
      %dma_start3A_175 = tpu.memref_slice %arg7[%run_scoped3A, %dma_start3A_174] : memref<125x80xi32, #tpu.memory_space<vmem>> -> memref<1x80xi32, #tpu.memory_space<vmem>>
      %dma_start3A_176 = tpu.memref_squeeze %dma_start3A_175 : memref<1x80xi32, #tpu.memory_space<vmem>> -> memref<80xi32, #tpu.memory_space<vmem>>
      %dma_start3A_177 = arith.constant 0 : i32
      %dma_start3A_178 = arith.constant 0 : i32
      %dma_start3A_179 = tpu.memref_slice %arg10[%dma_start3A_177, %dma_start3A_178] : memref<10000x128xf32, #tpu.memory_space<vmem_shared>> -> memref<10000x128xf32, #tpu.memory_space<vmem_shared>>
      tpu.enqueue_indirect_dma source(%arg8 : memref<80x128xf32, #tpu.memory_space<vmem>>) target(%dma_start3A_179 : memref<10000x128xf32, #tpu.memory_space<vmem_shared>>) offsets(%dma_start3A_176 : memref<80xi32, #tpu.memory_space<vmem>>) semaphore(%run_scoped3A_173 : memref<!tpu.dma_semaphore, #tpu.memory_space<semaphore_mem>>) {add = true}
      %dma_wait3A_180 = arith.constant 0 : i32
      %dma_wait3A_181 = tpu.memref_slice %arg7[%run_scoped3A, %dma_wait3A_180] : memref<125x80xi32, #tpu.memory_space<vmem>> -> memref<1x80xi32, #tpu.memory_space<vmem>>
      %dma_wait3A_182 = tpu.memref_squeeze %dma_wait3A_181 : memref<1x80xi32, #tpu.memory_space<vmem>> -> memref<80xi32, #tpu.memory_space<vmem>>
      %dma_wait3A_183 = arith.constant 0 : i32
      %dma_wait3A_184 = arith.constant 0 : i32
      %dma_wait3A_185 = tpu.memref_slice %arg10[%dma_wait3A_183, %dma_wait3A_184] : memref<10000x128xf32, #tpu.memory_space<vmem_shared>> -> memref<10000x128xf32, #tpu.memory_space<vmem_shared>>
      tpu.wait_indirect_dma semaphore(%run_scoped3A_173 : memref<!tpu.dma_semaphore, #tpu.memory_space<semaphore_mem>>) src(%arg8 : memref<80x128xf32, #tpu.memory_space<vmem>>) dst(%dma_wait3A_185 : memref<10000x128xf32, #tpu.memory_space<vmem_shared>>)
      tpu.yield
    }) : () -> ()
    %barrier3A_64 = arith.constant 0 : index
    tpu.barrier barrier_id(%barrier3A_64)
    %add3A_65 = arith.constant 0 : i32
    %add3A_66 = arith.addi %arg1, %add3A_65 : i32
    %lt3A = arith.constant 125 : i32
    %lt3A_67 = arith.cmpi slt, %add3A_66, %lt3A : i32
    %convert_element_type3A = arith.extui %lt3A_67 : i1 to i32
    %cond3A = arith.constant 0 : i32
    %cond3A_68 = arith.cmpi ne, %convert_element_type3A, %cond3A : i32
    scf.if %cond3A_68 {
      %mul3A_173 = arith.constant 80 : i32
      %mul3A_174 = arith.muli %add3A_66, %mul3A_173 : i32
      %dma_start3A_175 = arith.constant 0 : i32
      %dma_start3A_176 = tpu.memref_slice %arg10[%mul3A_174, %dma_start3A_175] : memref<10000x128xf32, #tpu.memory_space<vmem_shared>> -> memref<80x128xf32, #tpu.memory_space<vmem_shared>>
      %dma_start3A_177 = arith.constant 0 : i32
      %dma_start3A_178 = tpu.memref_slice %arg10[%mul3A_174, %dma_start3A_177] : memref<10000x128xf32, #tpu.memory_space<vmem_shared>> -> memref<80x128xf32, #tpu.memory_space<vmem_shared>>
      tpu.enqueue_dma source(%dma_start3A_178 : memref<80x128xf32, #tpu.memory_space<vmem_shared>>) target(%arg8 : memref<80x128xf32, #tpu.memory_space<vmem>>) target_semaphore(%arg11 : memref<!tpu.dma_semaphore, #tpu.memory_space<semaphore_mem>>)
      %dma_wait3A_179 = arith.constant 0 : i32
      %dma_wait3A_180 = tpu.memref_slice %arg10[%mul3A_174, %dma_wait3A_179] : memref<10000x128xf32, #tpu.memory_space<vmem_shared>> -> memref<80x128xf32, #tpu.memory_space<vmem_shared>>
      %dma_wait3A_181 = arith.constant 0 : i32
      %dma_wait3A_182 = tpu.memref_slice %arg10[%mul3A_174, %dma_wait3A_181] : memref<10000x128xf32, #tpu.memory_space<vmem_shared>> -> memref<80x128xf32, #tpu.memory_space<vmem_shared>>
      tpu.wait_dma2 semaphore(%arg11 : memref<!tpu.dma_semaphore, #tpu.memory_space<semaphore_mem>>) src(%dma_wait3A_182 : memref<80x128xf32, #tpu.memory_space<vmem_shared>>) dst(%arg8 : memref<80x128xf32, #tpu.memory_space<vmem>>)
      %dma_start3A_183 = arith.constant 0 : i32
      %dma_start3A_184 = tpu.memref_slice %arg5[%arg0, %mul3A_174, %dma_start3A_183] : memref<2x10000x128xf32, #tpu.memory_space<hbm>> -> memref<1x80x128xf32, #tpu.memory_space<hbm>>
      %dma_start3A_185 = tpu.memref_squeeze %dma_start3A_184 : memref<1x80x128xf32, #tpu.memory_space<hbm>> -> memref<80x128xf32, #tpu.memory_space<hbm>>
      %dma_start3A_186 = arith.constant 0 : i32
      %dma_start3A_187 = tpu.memref_slice %arg5[%arg0, %mul3A_174, %dma_start3A_186] : memref<2x10000x128xf32, #tpu.memory_space<hbm>> -> memref<1x80x128xf32, #tpu.memory_space<hbm>>
      %dma_start3A_188 = tpu.memref_squeeze %dma_start3A_187 : memref<1x80x128xf32, #tpu.memory_space<hbm>> -> memref<80x128xf32, #tpu.memory_space<hbm>>
      tpu.enqueue_dma source(%arg8 : memref<80x128xf32, #tpu.memory_space<vmem>>) target(%dma_start3A_188 : memref<80x128xf32, #tpu.memory_space<hbm>>) target_semaphore(%arg13 : memref<!tpu.dma_semaphore, #tpu.memory_space<semaphore_mem>>)
    } else {
    }
    %add3A_69 = arith.constant 16 : i32
    %add3A_70 = arith.addi %arg1, %add3A_69 : i32
    %lt3A_71 = arith.constant 125 : i32
    %lt3A_72 = arith.cmpi slt, %add3A_70, %lt3A_71 : i32
    %convert_element_type3A_73 = arith.extui %lt3A_72 : i1 to i32
    %cond3A_74 = arith.constant 0 : i32
    %cond3A_75 = arith.cmpi ne, %convert_element_type3A_73, %cond3A_74 : i32
    scf.if %cond3A_75 {
      %mul3A_173 = arith.constant 80 : i32
      %mul3A_174 = arith.muli %add3A_70, %mul3A_173 : i32
      %dma_start3A_175 = arith.constant 0 : i32
      %dma_start3A_176 = tpu.memref_slice %arg10[%mul3A_174, %dma_start3A_175] : memref<10000x128xf32, #tpu.memory_space<vmem_shared>> -> memref<80x128xf32, #tpu.memory_space<vmem_shared>>
      %dma_start3A_177 = arith.constant 0 : i32
      %dma_start3A_178 = tpu.memref_slice %arg10[%mul3A_174, %dma_start3A_177] : memref<10000x128xf32, #tpu.memory_space<vmem_shared>> -> memref<80x128xf32, #tpu.memory_space<vmem_shared>>
      tpu.enqueue_dma source(%dma_start3A_178 : memref<80x128xf32, #tpu.memory_space<vmem_shared>>) target(%arg9 : memref<80x128xf32, #tpu.memory_space<vmem>>) target_semaphore(%arg12 : memref<!tpu.dma_semaphore, #tpu.memory_space<semaphore_mem>>)
      %dma_wait3A_179 = arith.constant 0 : i32
      %dma_wait3A_180 = tpu.memref_slice %arg10[%mul3A_174, %dma_wait3A_179] : memref<10000x128xf32, #tpu.memory_space<vmem_shared>> -> memref<80x128xf32, #tpu.memory_space<vmem_shared>>
      %dma_wait3A_181 = arith.constant 0 : i32
      %dma_wait3A_182 = tpu.memref_slice %arg10[%mul3A_174, %dma_wait3A_181] : memref<10000x128xf32, #tpu.memory_space<vmem_shared>> -> memref<80x128xf32, #tpu.memory_space<vmem_shared>>
      tpu.wait_dma2 semaphore(%arg12 : memref<!tpu.dma_semaphore, #tpu.memory_space<semaphore_mem>>) src(%dma_wait3A_182 : memref<80x128xf32, #tpu.memory_space<vmem_shared>>) dst(%arg9 : memref<80x128xf32, #tpu.memory_space<vmem>>)
      %dma_start3A_183 = arith.constant 0 : i32
      %dma_start3A_184 = tpu.memref_slice %arg5[%arg0, %mul3A_174, %dma_start3A_183] : memref<2x10000x128xf32, #tpu.memory_space<hbm>> -> memref<1x80x128xf32, #tpu.memory_space<hbm>>
      %dma_start3A_185 = tpu.memref_squeeze %dma_start3A_184 : memref<1x80x128xf32, #tpu.memory_space<hbm>> -> memref<80x128xf32, #tpu.memory_space<hbm>>
      %dma_start3A_186 = arith.constant 0 : i32
      %dma_start3A_187 = tpu.memref_slice %arg5[%arg0, %mul3A_174, %dma_start3A_186] : memref<2x10000x128xf32, #tpu.memory_space<hbm>> -> memref<1x80x128xf32, #tpu.memory_space<hbm>>
      %dma_start3A_188 = tpu.memref_squeeze %dma_start3A_187 : memref<1x80x128xf32, #tpu.memory_space<hbm>> -> memref<80x128xf32, #tpu.memory_space<hbm>>
      tpu.enqueue_dma source(%arg9 : memref<80x128xf32, #tpu.memory_space<vmem>>) target(%dma_start3A_188 : memref<80x128xf32, #tpu.memory_space<hbm>>) target_semaphore(%arg14 : memref<!tpu.dma_semaphore, #tpu.memory_space<semaphore_mem>>)
    } else {
    }
    %add3A_76 = arith.constant 32 : i32
    %add3A_77 = arith.addi %arg1, %add3A_76 : i32
    %sub3A = arith.constant 32 : i32
    %sub3A_78 = arith.subi %add3A_77, %sub3A : i32
    %lt3A_79 = arith.constant 125 : i32
    %lt3A_80 = arith.cmpi slt, %sub3A_78, %lt3A_79 : i32
    %convert_element_type3A_81 = arith.extui %lt3A_80 : i1 to i32
    %cond3A_82 = arith.constant 0 : i32
    %cond3A_83 = arith.cmpi ne, %convert_element_type3A_81, %cond3A_82 : i32
    scf.if %cond3A_83 {
      %sub3A_173 = arith.constant 32 : i32
      %sub3A_174 = arith.subi %add3A_77, %sub3A_173 : i32
      %mul3A_175 = arith.constant 80 : i32
      %mul3A_176 = arith.muli %sub3A_174, %mul3A_175 : i32
      %dma_wait3A_177 = arith.constant 0 : i32
      %dma_wait3A_178 = tpu.memref_slice %arg5[%arg0, %mul3A_176, %dma_wait3A_177] : memref<2x10000x128xf32, #tpu.memory_space<hbm>> -> memref<1x80x128xf32, #tpu.memory_space<hbm>>
      %dma_wait3A_179 = tpu.memref_squeeze %dma_wait3A_178 : memref<1x80x128xf32, #tpu.memory_space<hbm>> -> memref<80x128xf32, #tpu.memory_space<hbm>>
      %dma_wait3A_180 = arith.constant 0 : i32
      %dma_wait3A_181 = tpu.memref_slice %arg5[%arg0, %mul3A_176, %dma_wait3A_180] : memref<2x10000x128xf32, #tpu.memory_space<hbm>> -> memref<1x80x128xf32, #tpu.memory_space<hbm>>
      %dma_wait3A_182 = tpu.memref_squeeze %dma_wait3A_181 : memref<1x80x128xf32, #tpu.memory_space<hbm>> -> memref<80x128xf32, #tpu.memory_space<hbm>>
      tpu.wait_dma2 semaphore(%arg13 : memref<!tpu.dma_semaphore, #tpu.memory_space<semaphore_mem>>) src(%arg8 : memref<80x128xf32, #tpu.memory_space<vmem>>) dst(%dma_wait3A_182 : memref<80x128xf32, #tpu.memory_space<hbm>>)
    } else {
    }
    %lt3A_84 = arith.constant 125 : i32
    %lt3A_85 = arith.cmpi slt, %add3A_77, %lt3A_84 : i32
    %convert_element_type3A_86 = arith.extui %lt3A_85 : i1 to i32
    %cond3A_87 = arith.constant 0 : i32
    %cond3A_88 = arith.cmpi ne, %convert_element_type3A_86, %cond3A_87 : i32
    scf.if %cond3A_88 {
      %mul3A_173 = arith.constant 80 : i32
      %mul3A_174 = arith.muli %add3A_77, %mul3A_173 : i32
      %dma_start3A_175 = arith.constant 0 : i32
      %dma_start3A_176 = tpu.memref_slice %arg10[%mul3A_174, %dma_start3A_175] : memref<10000x128xf32, #tpu.memory_space<vmem_shared>> -> memref<80x128xf32, #tpu.memory_space<vmem_shared>>
      %dma_start3A_177 = arith.constant 0 : i32
      %dma_start3A_178 = tpu.memref_slice %arg10[%mul3A_174, %dma_start3A_177] : memref<10000x128xf32, #tpu.memory_space<vmem_shared>> -> memref<80x128xf32, #tpu.memory_space<vmem_shared>>
      tpu.enqueue_dma source(%dma_start3A_178 : memref<80x128xf32, #tpu.memory_space<vmem_shared>>) target(%arg8 : memref<80x128xf32, #tpu.memory_space<vmem>>) target_semaphore(%arg11 : memref<!tpu.dma_semaphore, #tpu.memory_space<semaphore_mem>>)
      %dma_wait3A_179 = arith.constant 0 : i32
      %dma_wait3A_180 = tpu.memref_slice %arg10[%mul3A_174, %dma_wait3A_179] : memref<10000x128xf32, #tpu.memory_space<vmem_shared>> -> memref<80x128xf32, #tpu.memory_space<vmem_shared>>
      %dma_wait3A_181 = arith.constant 0 : i32
      %dma_wait3A_182 = tpu.memref_slice %arg10[%mul3A_174, %dma_wait3A_181] : memref<10000x128xf32, #tpu.memory_space<vmem_shared>> -> memref<80x128xf32, #tpu.memory_space<vmem_shared>>
      tpu.wait_dma2 semaphore(%arg11 : memref<!tpu.dma_semaphore, #tpu.memory_space<semaphore_mem>>) src(%dma_wait3A_182 : memref<80x128xf32, #tpu.memory_space<vmem_shared>>) dst(%arg8 : memref<80x128xf32, #tpu.memory_space<vmem>>)
      %dma_start3A_183 = arith.constant 0 : i32
      %dma_start3A_184 = tpu.memref_slice %arg5[%arg0, %mul3A_174, %dma_start3A_183] : memref<2x10000x128xf32, #tpu.memory_space<hbm>> -> memref<1x80x128xf32, #tpu.memory_space<hbm>>
      %dma_start3A_185 = tpu.memref_squeeze %dma_start3A_184 : memref<1x80x128xf32, #tpu.memory_space<hbm>> -> memref<80x128xf32, #tpu.memory_space<hbm>>
      %dma_start3A_186 = arith.constant 0 : i32
      %dma_start3A_187 = tpu.memref_slice %arg5[%arg0, %mul3A_174, %dma_start3A_186] : memref<2x10000x128xf32, #tpu.memory_space<hbm>> -> memref<1x80x128xf32, #tpu.memory_space<hbm>>
      %dma_start3A_188 = tpu.memref_squeeze %dma_start3A_187 : memref<1x80x128xf32, #tpu.memory_space<hbm>> -> memref<80x128xf32, #tpu.memory_space<hbm>>
      tpu.enqueue_dma source(%arg8 : memref<80x128xf32, #tpu.memory_space<vmem>>) target(%dma_start3A_188 : memref<80x128xf32, #tpu.memory_space<hbm>>) target_semaphore(%arg13 : memref<!tpu.dma_semaphore, #tpu.memory_space<semaphore_mem>>)
    } else {
    }
    %add3A_89 = arith.constant 48 : i32
    %add3A_90 = arith.addi %arg1, %add3A_89 : i32
    %sub3A_91 = arith.constant 32 : i32
    %sub3A_92 = arith.subi %add3A_90, %sub3A_91 : i32
    %lt3A_93 = arith.constant 125 : i32
    %lt3A_94 = arith.cmpi slt, %sub3A_92, %lt3A_93 : i32
    %convert_element_type3A_95 = arith.extui %lt3A_94 : i1 to i32
    %cond3A_96 = arith.constant 0 : i32
    %cond3A_97 = arith.cmpi ne, %convert_element_type3A_95, %cond3A_96 : i32
    scf.if %cond3A_97 {
      %sub3A_173 = arith.constant 32 : i32
      %sub3A_174 = arith.subi %add3A_90, %sub3A_173 : i32
      %mul3A_175 = arith.constant 80 : i32
      %mul3A_176 = arith.muli %sub3A_174, %mul3A_175 : i32
      %dma_wait3A_177 = arith.constant 0 : i32
      %dma_wait3A_178 = tpu.memref_slice %arg5[%arg0, %mul3A_176, %dma_wait3A_177] : memref<2x10000x128xf32, #tpu.memory_space<hbm>> -> memref<1x80x128xf32, #tpu.memory_space<hbm>>
      %dma_wait3A_179 = tpu.memref_squeeze %dma_wait3A_178 : memref<1x80x128xf32, #tpu.memory_space<hbm>> -> memref<80x128xf32, #tpu.memory_space<hbm>>
      %dma_wait3A_180 = arith.constant 0 : i32
      %dma_wait3A_181 = tpu.memref_slice %arg5[%arg0, %mul3A_176, %dma_wait3A_180] : memref<2x10000x128xf32, #tpu.memory_space<hbm>> -> memref<1x80x128xf32, #tpu.memory_space<hbm>>
      %dma_wait3A_182 = tpu.memref_squeeze %dma_wait3A_181 : memref<1x80x128xf32, #tpu.memory_space<hbm>> -> memref<80x128xf32, #tpu.memory_space<hbm>>
      tpu.wait_dma2 semaphore(%arg14 : memref<!tpu.dma_semaphore, #tpu.memory_space<semaphore_mem>>) src(%arg9 : memref<80x128xf32, #tpu.memory_space<vmem>>) dst(%dma_wait3A_182 : memref<80x128xf32, #tpu.memory_space<hbm>>)
    } else {
    }
    %lt3A_98 = arith.constant 125 : i32
    %lt3A_99 = arith.cmpi slt, %add3A_90, %lt3A_98 : i32
    %convert_element_type3A_100 = arith.extui %lt3A_99 : i1 to i32
    %cond3A_101 = arith.constant 0 : i32
    %cond3A_102 = arith.cmpi ne, %convert_element_type3A_100, %cond3A_101 : i32
    scf.if %cond3A_102 {
      %mul3A_173 = arith.constant 80 : i32
      %mul3A_174 = arith.muli %add3A_90, %mul3A_173 : i32
      %dma_start3A_175 = arith.constant 0 : i32
      %dma_start3A_176 = tpu.memref_slice %arg10[%mul3A_174, %dma_start3A_175] : memref<10000x128xf32, #tpu.memory_space<vmem_shared>> -> memref<80x128xf32, #tpu.memory_space<vmem_shared>>
      %dma_start3A_177 = arith.constant 0 : i32
      %dma_start3A_178 = tpu.memref_slice %arg10[%mul3A_174, %dma_start3A_177] : memref<10000x128xf32, #tpu.memory_space<vmem_shared>> -> memref<80x128xf32, #tpu.memory_space<vmem_shared>>
      tpu.enqueue_dma source(%dma_start3A_178 : memref<80x128xf32, #tpu.memory_space<vmem_shared>>) target(%arg9 : memref<80x128xf32, #tpu.memory_space<vmem>>) target_semaphore(%arg12 : memref<!tpu.dma_semaphore, #tpu.memory_space<semaphore_mem>>)
      %dma_wait3A_179 = arith.constant 0 : i32
      %dma_wait3A_180 = tpu.memref_slice %arg10[%mul3A_174, %dma_wait3A_179] : memref<10000x128xf32, #tpu.memory_space<vmem_shared>> -> memref<80x128xf32, #tpu.memory_space<vmem_shared>>
      %dma_wait3A_181 = arith.constant 0 : i32
      %dma_wait3A_182 = tpu.memref_slice %arg10[%mul3A_174, %dma_wait3A_181] : memref<10000x128xf32, #tpu.memory_space<vmem_shared>> -> memref<80x128xf32, #tpu.memory_space<vmem_shared>>
      tpu.wait_dma2 semaphore(%arg12 : memref<!tpu.dma_semaphore, #tpu.memory_space<semaphore_mem>>) src(%dma_wait3A_182 : memref<80x128xf32, #tpu.memory_space<vmem_shared>>) dst(%arg9 : memref<80x128xf32, #tpu.memory_space<vmem>>)
      %dma_start3A_183 = arith.constant 0 : i32
      %dma_start3A_184 = tpu.memref_slice %arg5[%arg0, %mul3A_174, %dma_start3A_183] : memref<2x10000x128xf32, #tpu.memory_space<hbm>> -> memref<1x80x128xf32, #tpu.memory_space<hbm>>
      %dma_start3A_185 = tpu.memref_squeeze %dma_start3A_184 : memref<1x80x128xf32, #tpu.memory_space<hbm>> -> memref<80x128xf32, #tpu.memory_space<hbm>>
      %dma_start3A_186 = arith.constant 0 : i32
      %dma_start3A_187 = tpu.memref_slice %arg5[%arg0, %mul3A_174, %dma_start3A_186] : memref<2x10000x128xf32, #tpu.memory_space<hbm>> -> memref<1x80x128xf32, #tpu.memory_space<hbm>>
      %dma_start3A_188 = tpu.memref_squeeze %dma_start3A_187 : memref<1x80x128xf32, #tpu.memory_space<hbm>> -> memref<80x128xf32, #tpu.memory_space<hbm>>
      tpu.enqueue_dma source(%arg9 : memref<80x128xf32, #tpu.memory_space<vmem>>) target(%dma_start3A_188 : memref<80x128xf32, #tpu.memory_space<hbm>>) target_semaphore(%arg14 : memref<!tpu.dma_semaphore, #tpu.memory_space<semaphore_mem>>)
    } else {
    }
    %add3A_103 = arith.constant 64 : i32
    %add3A_104 = arith.addi %arg1, %add3A_103 : i32
    %sub3A_105 = arith.constant 32 : i32
    %sub3A_106 = arith.subi %add3A_104, %sub3A_105 : i32
    %lt3A_107 = arith.constant 125 : i32
    %lt3A_108 = arith.cmpi slt, %sub3A_106, %lt3A_107 : i32
    %convert_element_type3A_109 = arith.extui %lt3A_108 : i1 to i32
    %cond3A_110 = arith.constant 0 : i32
    %cond3A_111 = arith.cmpi ne, %convert_element_type3A_109, %cond3A_110 : i32
    scf.if %cond3A_111 {
      %sub3A_173 = arith.constant 32 : i32
      %sub3A_174 = arith.subi %add3A_104, %sub3A_173 : i32
      %mul3A_175 = arith.constant 80 : i32
      %mul3A_176 = arith.muli %sub3A_174, %mul3A_175 : i32
      %dma_wait3A_177 = arith.constant 0 : i32
      %dma_wait3A_178 = tpu.memref_slice %arg5[%arg0, %mul3A_176, %dma_wait3A_177] : memref<2x10000x128xf32, #tpu.memory_space<hbm>> -> memref<1x80x128xf32, #tpu.memory_space<hbm>>
      %dma_wait3A_179 = tpu.memref_squeeze %dma_wait3A_178 : memref<1x80x128xf32, #tpu.memory_space<hbm>> -> memref<80x128xf32, #tpu.memory_space<hbm>>
      %dma_wait3A_180 = arith.constant 0 : i32
      %dma_wait3A_181 = tpu.memref_slice %arg5[%arg0, %mul3A_176, %dma_wait3A_180] : memref<2x10000x128xf32, #tpu.memory_space<hbm>> -> memref<1x80x128xf32, #tpu.memory_space<hbm>>
      %dma_wait3A_182 = tpu.memref_squeeze %dma_wait3A_181 : memref<1x80x128xf32, #tpu.memory_space<hbm>> -> memref<80x128xf32, #tpu.memory_space<hbm>>
      tpu.wait_dma2 semaphore(%arg13 : memref<!tpu.dma_semaphore, #tpu.memory_space<semaphore_mem>>) src(%arg8 : memref<80x128xf32, #tpu.memory_space<vmem>>) dst(%dma_wait3A_182 : memref<80x128xf32, #tpu.memory_space<hbm>>)
    } else {
    }
    %lt3A_112 = arith.constant 125 : i32
    %lt3A_113 = arith.cmpi slt, %add3A_104, %lt3A_112 : i32
    %convert_element_type3A_114 = arith.extui %lt3A_113 : i1 to i32
    %cond3A_115 = arith.constant 0 : i32
    %cond3A_116 = arith.cmpi ne, %convert_element_type3A_114, %cond3A_115 : i32
    scf.if %cond3A_116 {
      %mul3A_173 = arith.constant 80 : i32
      %mul3A_174 = arith.muli %add3A_104, %mul3A_173 : i32
      %dma_start3A_175 = arith.constant 0 : i32
      %dma_start3A_176 = tpu.memref_slice %arg10[%mul3A_174, %dma_start3A_175] : memref<10000x128xf32, #tpu.memory_space<vmem_shared>> -> memref<80x128xf32, #tpu.memory_space<vmem_shared>>
      %dma_start3A_177 = arith.constant 0 : i32
      %dma_start3A_178 = tpu.memref_slice %arg10[%mul3A_174, %dma_start3A_177] : memref<10000x128xf32, #tpu.memory_space<vmem_shared>> -> memref<80x128xf32, #tpu.memory_space<vmem_shared>>
      tpu.enqueue_dma source(%dma_start3A_178 : memref<80x128xf32, #tpu.memory_space<vmem_shared>>) target(%arg8 : memref<80x128xf32, #tpu.memory_space<vmem>>) target_semaphore(%arg11 : memref<!tpu.dma_semaphore, #tpu.memory_space<semaphore_mem>>)
      %dma_wait3A_179 = arith.constant 0 : i32
      %dma_wait3A_180 = tpu.memref_slice %arg10[%mul3A_174, %dma_wait3A_179] : memref<10000x128xf32, #tpu.memory_space<vmem_shared>> -> memref<80x128xf32, #tpu.memory_space<vmem_shared>>
      %dma_wait3A_181 = arith.constant 0 : i32
      %dma_wait3A_182 = tpu.memref_slice %arg10[%mul3A_174, %dma_wait3A_181] : memref<10000x128xf32, #tpu.memory_space<vmem_shared>> -> memref<80x128xf32, #tpu.memory_space<vmem_shared>>
      tpu.wait_dma2 semaphore(%arg11 : memref<!tpu.dma_semaphore, #tpu.memory_space<semaphore_mem>>) src(%dma_wait3A_182 : memref<80x128xf32, #tpu.memory_space<vmem_shared>>) dst(%arg8 : memref<80x128xf32, #tpu.memory_space<vmem>>)
      %dma_start3A_183 = arith.constant 0 : i32
      %dma_start3A_184 = tpu.memref_slice %arg5[%arg0, %mul3A_174, %dma_start3A_183] : memref<2x10000x128xf32, #tpu.memory_space<hbm>> -> memref<1x80x128xf32, #tpu.memory_space<hbm>>
      %dma_start3A_185 = tpu.memref_squeeze %dma_start3A_184 : memref<1x80x128xf32, #tpu.memory_space<hbm>> -> memref<80x128xf32, #tpu.memory_space<hbm>>
      %dma_start3A_186 = arith.constant 0 : i32
      %dma_start3A_187 = tpu.memref_slice %arg5[%arg0, %mul3A_174, %dma_start3A_186] : memref<2x10000x128xf32, #tpu.memory_space<hbm>> -> memref<1x80x128xf32, #tpu.memory_space<hbm>>
      %dma_start3A_188 = tpu.memref_squeeze %dma_start3A_187 : memref<1x80x128xf32, #tpu.memory_space<hbm>> -> memref<80x128xf32, #tpu.memory_space<hbm>>
      tpu.enqueue_dma source(%arg8 : memref<80x128xf32, #tpu.memory_space<vmem>>) target(%dma_start3A_188 : memref<80x128xf32, #tpu.memory_space<hbm>>) target_semaphore(%arg13 : memref<!tpu.dma_semaphore, #tpu.memory_space<semaphore_mem>>)
    } else {
    }
    %add3A_117 = arith.constant 80 : i32
    %add3A_118 = arith.addi %arg1, %add3A_117 : i32
    %sub3A_119 = arith.constant 32 : i32
    %sub3A_120 = arith.subi %add3A_118, %sub3A_119 : i32
    %lt3A_121 = arith.constant 125 : i32
    %lt3A_122 = arith.cmpi slt, %sub3A_120, %lt3A_121 : i32
    %convert_element_type3A_123 = arith.extui %lt3A_122 : i1 to i32
    %cond3A_124 = arith.constant 0 : i32
    %cond3A_125 = arith.cmpi ne, %convert_element_type3A_123, %cond3A_124 : i32
    scf.if %cond3A_125 {
      %sub3A_173 = arith.constant 32 : i32
      %sub3A_174 = arith.subi %add3A_118, %sub3A_173 : i32
      %mul3A_175 = arith.constant 80 : i32
      %mul3A_176 = arith.muli %sub3A_174, %mul3A_175 : i32
      %dma_wait3A_177 = arith.constant 0 : i32
      %dma_wait3A_178 = tpu.memref_slice %arg5[%arg0, %mul3A_176, %dma_wait3A_177] : memref<2x10000x128xf32, #tpu.memory_space<hbm>> -> memref<1x80x128xf32, #tpu.memory_space<hbm>>
      %dma_wait3A_179 = tpu.memref_squeeze %dma_wait3A_178 : memref<1x80x128xf32, #tpu.memory_space<hbm>> -> memref<80x128xf32, #tpu.memory_space<hbm>>
      %dma_wait3A_180 = arith.constant 0 : i32
      %dma_wait3A_181 = tpu.memref_slice %arg5[%arg0, %mul3A_176, %dma_wait3A_180] : memref<2x10000x128xf32, #tpu.memory_space<hbm>> -> memref<1x80x128xf32, #tpu.memory_space<hbm>>
      %dma_wait3A_182 = tpu.memref_squeeze %dma_wait3A_181 : memref<1x80x128xf32, #tpu.memory_space<hbm>> -> memref<80x128xf32, #tpu.memory_space<hbm>>
      tpu.wait_dma2 semaphore(%arg14 : memref<!tpu.dma_semaphore, #tpu.memory_space<semaphore_mem>>) src(%arg9 : memref<80x128xf32, #tpu.memory_space<vmem>>) dst(%dma_wait3A_182 : memref<80x128xf32, #tpu.memory_space<hbm>>)
    } else {
    }
    %lt3A_126 = arith.constant 125 : i32
    %lt3A_127 = arith.cmpi slt, %add3A_118, %lt3A_126 : i32
    %convert_element_type3A_128 = arith.extui %lt3A_127 : i1 to i32
    %cond3A_129 = arith.constant 0 : i32
    %cond3A_130 = arith.cmpi ne, %convert_element_type3A_128, %cond3A_129 : i32
    scf.if %cond3A_130 {
      %mul3A_173 = arith.constant 80 : i32
      %mul3A_174 = arith.muli %add3A_118, %mul3A_173 : i32
      %dma_start3A_175 = arith.constant 0 : i32
      %dma_start3A_176 = tpu.memref_slice %arg10[%mul3A_174, %dma_start3A_175] : memref<10000x128xf32, #tpu.memory_space<vmem_shared>> -> memref<80x128xf32, #tpu.memory_space<vmem_shared>>
      %dma_start3A_177 = arith.constant 0 : i32
      %dma_start3A_178 = tpu.memref_slice %arg10[%mul3A_174, %dma_start3A_177] : memref<10000x128xf32, #tpu.memory_space<vmem_shared>> -> memref<80x128xf32, #tpu.memory_space<vmem_shared>>
      tpu.enqueue_dma source(%dma_start3A_178 : memref<80x128xf32, #tpu.memory_space<vmem_shared>>) target(%arg9 : memref<80x128xf32, #tpu.memory_space<vmem>>) target_semaphore(%arg12 : memref<!tpu.dma_semaphore, #tpu.memory_space<semaphore_mem>>)
      %dma_wait3A_179 = arith.constant 0 : i32
      %dma_wait3A_180 = tpu.memref_slice %arg10[%mul3A_174, %dma_wait3A_179] : memref<10000x128xf32, #tpu.memory_space<vmem_shared>> -> memref<80x128xf32, #tpu.memory_space<vmem_shared>>
      %dma_wait3A_181 = arith.constant 0 : i32
      %dma_wait3A_182 = tpu.memref_slice %arg10[%mul3A_174, %dma_wait3A_181] : memref<10000x128xf32, #tpu.memory_space<vmem_shared>> -> memref<80x128xf32, #tpu.memory_space<vmem_shared>>
      tpu.wait_dma2 semaphore(%arg12 : memref<!tpu.dma_semaphore, #tpu.memory_space<semaphore_mem>>) src(%dma_wait3A_182 : memref<80x128xf32, #tpu.memory_space<vmem_shared>>) dst(%arg9 : memref<80x128xf32, #tpu.memory_space<vmem>>)
      %dma_start3A_183 = arith.constant 0 : i32
      %dma_start3A_184 = tpu.memref_slice %arg5[%arg0, %mul3A_174, %dma_start3A_183] : memref<2x10000x128xf32, #tpu.memory_space<hbm>> -> memref<1x80x128xf32, #tpu.memory_space<hbm>>
      %dma_start3A_185 = tpu.memref_squeeze %dma_start3A_184 : memref<1x80x128xf32, #tpu.memory_space<hbm>> -> memref<80x128xf32, #tpu.memory_space<hbm>>
      %dma_start3A_186 = arith.constant 0 : i32
      %dma_start3A_187 = tpu.memref_slice %arg5[%arg0, %mul3A_174, %dma_start3A_186] : memref<2x10000x128xf32, #tpu.memory_space<hbm>> -> memref<1x80x128xf32, #tpu.memory_space<hbm>>
      %dma_start3A_188 = tpu.memref_squeeze %dma_start3A_187 : memref<1x80x128xf32, #tpu.memory_space<hbm>> -> memref<80x128xf32, #tpu.memory_space<hbm>>
      tpu.enqueue_dma source(%arg9 : memref<80x128xf32, #tpu.memory_space<vmem>>) target(%dma_start3A_188 : memref<80x128xf32, #tpu.memory_space<hbm>>) target_semaphore(%arg14 : memref<!tpu.dma_semaphore, #tpu.memory_space<semaphore_mem>>)
    } else {
    }
    %add3A_131 = arith.constant 96 : i32
    %add3A_132 = arith.addi %arg1, %add3A_131 : i32
    %sub3A_133 = arith.constant 32 : i32
    %sub3A_134 = arith.subi %add3A_132, %sub3A_133 : i32
    %lt3A_135 = arith.constant 125 : i32
    %lt3A_136 = arith.cmpi slt, %sub3A_134, %lt3A_135 : i32
    %convert_element_type3A_137 = arith.extui %lt3A_136 : i1 to i32
    %cond3A_138 = arith.constant 0 : i32
    %cond3A_139 = arith.cmpi ne, %convert_element_type3A_137, %cond3A_138 : i32
    scf.if %cond3A_139 {
      %sub3A_173 = arith.constant 32 : i32
      %sub3A_174 = arith.subi %add3A_132, %sub3A_173 : i32
      %mul3A_175 = arith.constant 80 : i32
      %mul3A_176 = arith.muli %sub3A_174, %mul3A_175 : i32
      %dma_wait3A_177 = arith.constant 0 : i32
      %dma_wait3A_178 = tpu.memref_slice %arg5[%arg0, %mul3A_176, %dma_wait3A_177] : memref<2x10000x128xf32, #tpu.memory_space<hbm>> -> memref<1x80x128xf32, #tpu.memory_space<hbm>>
      %dma_wait3A_179 = tpu.memref_squeeze %dma_wait3A_178 : memref<1x80x128xf32, #tpu.memory_space<hbm>> -> memref<80x128xf32, #tpu.memory_space<hbm>>
      %dma_wait3A_180 = arith.constant 0 : i32
      %dma_wait3A_181 = tpu.memref_slice %arg5[%arg0, %mul3A_176, %dma_wait3A_180] : memref<2x10000x128xf32, #tpu.memory_space<hbm>> -> memref<1x80x128xf32, #tpu.memory_space<hbm>>
      %dma_wait3A_182 = tpu.memref_squeeze %dma_wait3A_181 : memref<1x80x128xf32, #tpu.memory_space<hbm>> -> memref<80x128xf32, #tpu.memory_space<hbm>>
      tpu.wait_dma2 semaphore(%arg13 : memref<!tpu.dma_semaphore, #tpu.memory_space<semaphore_mem>>) src(%arg8 : memref<80x128xf32, #tpu.memory_space<vmem>>) dst(%dma_wait3A_182 : memref<80x128xf32, #tpu.memory_space<hbm>>)
    } else {
    }
    %lt3A_140 = arith.constant 125 : i32
    %lt3A_141 = arith.cmpi slt, %add3A_132, %lt3A_140 : i32
    %convert_element_type3A_142 = arith.extui %lt3A_141 : i1 to i32
    %cond3A_143 = arith.constant 0 : i32
    %cond3A_144 = arith.cmpi ne, %convert_element_type3A_142, %cond3A_143 : i32
    scf.if %cond3A_144 {
      %mul3A_173 = arith.constant 80 : i32
      %mul3A_174 = arith.muli %add3A_132, %mul3A_173 : i32
      %dma_start3A_175 = arith.constant 0 : i32
      %dma_start3A_176 = tpu.memref_slice %arg10[%mul3A_174, %dma_start3A_175] : memref<10000x128xf32, #tpu.memory_space<vmem_shared>> -> memref<80x128xf32, #tpu.memory_space<vmem_shared>>
      %dma_start3A_177 = arith.constant 0 : i32
      %dma_start3A_178 = tpu.memref_slice %arg10[%mul3A_174, %dma_start3A_177] : memref<10000x128xf32, #tpu.memory_space<vmem_shared>> -> memref<80x128xf32, #tpu.memory_space<vmem_shared>>
      tpu.enqueue_dma source(%dma_start3A_178 : memref<80x128xf32, #tpu.memory_space<vmem_shared>>) target(%arg8 : memref<80x128xf32, #tpu.memory_space<vmem>>) target_semaphore(%arg11 : memref<!tpu.dma_semaphore, #tpu.memory_space<semaphore_mem>>)
      %dma_wait3A_179 = arith.constant 0 : i32
      %dma_wait3A_180 = tpu.memref_slice %arg10[%mul3A_174, %dma_wait3A_179] : memref<10000x128xf32, #tpu.memory_space<vmem_shared>> -> memref<80x128xf32, #tpu.memory_space<vmem_shared>>
      %dma_wait3A_181 = arith.constant 0 : i32
      %dma_wait3A_182 = tpu.memref_slice %arg10[%mul3A_174, %dma_wait3A_181] : memref<10000x128xf32, #tpu.memory_space<vmem_shared>> -> memref<80x128xf32, #tpu.memory_space<vmem_shared>>
      tpu.wait_dma2 semaphore(%arg11 : memref<!tpu.dma_semaphore, #tpu.memory_space<semaphore_mem>>) src(%dma_wait3A_182 : memref<80x128xf32, #tpu.memory_space<vmem_shared>>) dst(%arg8 : memref<80x128xf32, #tpu.memory_space<vmem>>)
      %dma_start3A_183 = arith.constant 0 : i32
      %dma_start3A_184 = tpu.memref_slice %arg5[%arg0, %mul3A_174, %dma_start3A_183] : memref<2x10000x128xf32, #tpu.memory_space<hbm>> -> memref<1x80x128xf32, #tpu.memory_space<hbm>>
      %dma_start3A_185 = tpu.memref_squeeze %dma_start3A_184 : memref<1x80x128xf32, #tpu.memory_space<hbm>> -> memref<80x128xf32, #tpu.memory_space<hbm>>
      %dma_start3A_186 = arith.constant 0 : i32
      %dma_start3A_187 = tpu.memref_slice %arg5[%arg0, %mul3A_174, %dma_start3A_186] : memref<2x10000x128xf32, #tpu.memory_space<hbm>> -> memref<1x80x128xf32, #tpu.memory_space<hbm>>
      %dma_start3A_188 = tpu.memref_squeeze %dma_start3A_187 : memref<1x80x128xf32, #tpu.memory_space<hbm>> -> memref<80x128xf32, #tpu.memory_space<hbm>>
      tpu.enqueue_dma source(%arg8 : memref<80x128xf32, #tpu.memory_space<vmem>>) target(%dma_start3A_188 : memref<80x128xf32, #tpu.memory_space<hbm>>) target_semaphore(%arg13 : memref<!tpu.dma_semaphore, #tpu.memory_space<semaphore_mem>>)
    } else {
    }
    %add3A_145 = arith.constant 112 : i32
    %add3A_146 = arith.addi %arg1, %add3A_145 : i32
    %sub3A_147 = arith.constant 32 : i32
    %sub3A_148 = arith.subi %add3A_146, %sub3A_147 : i32
    %lt3A_149 = arith.constant 125 : i32
    %lt3A_150 = arith.cmpi slt, %sub3A_148, %lt3A_149 : i32
    %convert_element_type3A_151 = arith.extui %lt3A_150 : i1 to i32
    %cond3A_152 = arith.constant 0 : i32
    %cond3A_153 = arith.cmpi ne, %convert_element_type3A_151, %cond3A_152 : i32
    scf.if %cond3A_153 {
      %sub3A_173 = arith.constant 32 : i32
      %sub3A_174 = arith.subi %add3A_146, %sub3A_173 : i32
      %mul3A_175 = arith.constant 80 : i32
      %mul3A_176 = arith.muli %sub3A_174, %mul3A_175 : i32
      %dma_wait3A_177 = arith.constant 0 : i32
      %dma_wait3A_178 = tpu.memref_slice %arg5[%arg0, %mul3A_176, %dma_wait3A_177] : memref<2x10000x128xf32, #tpu.memory_space<hbm>> -> memref<1x80x128xf32, #tpu.memory_space<hbm>>
      %dma_wait3A_179 = tpu.memref_squeeze %dma_wait3A_178 : memref<1x80x128xf32, #tpu.memory_space<hbm>> -> memref<80x128xf32, #tpu.memory_space<hbm>>
      %dma_wait3A_180 = arith.constant 0 : i32
      %dma_wait3A_181 = tpu.memref_slice %arg5[%arg0, %mul3A_176, %dma_wait3A_180] : memref<2x10000x128xf32, #tpu.memory_space<hbm>> -> memref<1x80x128xf32, #tpu.memory_space<hbm>>
      %dma_wait3A_182 = tpu.memref_squeeze %dma_wait3A_181 : memref<1x80x128xf32, #tpu.memory_space<hbm>> -> memref<80x128xf32, #tpu.memory_space<hbm>>
      tpu.wait_dma2 semaphore(%arg14 : memref<!tpu.dma_semaphore, #tpu.memory_space<semaphore_mem>>) src(%arg9 : memref<80x128xf32, #tpu.memory_space<vmem>>) dst(%dma_wait3A_182 : memref<80x128xf32, #tpu.memory_space<hbm>>)
    } else {
    }
    %lt3A_154 = arith.constant 125 : i32
    %lt3A_155 = arith.cmpi slt, %add3A_146, %lt3A_154 : i32
    %convert_element_type3A_156 = arith.extui %lt3A_155 : i1 to i32
    %cond3A_157 = arith.constant 0 : i32
    %cond3A_158 = arith.cmpi ne, %convert_element_type3A_156, %cond3A_157 : i32
    scf.if %cond3A_158 {
      %mul3A_173 = arith.constant 80 : i32
      %mul3A_174 = arith.muli %add3A_146, %mul3A_173 : i32
      %dma_start3A_175 = arith.constant 0 : i32
      %dma_start3A_176 = tpu.memref_slice %arg10[%mul3A_174, %dma_start3A_175] : memref<10000x128xf32, #tpu.memory_space<vmem_shared>> -> memref<80x128xf32, #tpu.memory_space<vmem_shared>>
      %dma_start3A_177 = arith.constant 0 : i32
      %dma_start3A_178 = tpu.memref_slice %arg10[%mul3A_174, %dma_start3A_177] : memref<10000x128xf32, #tpu.memory_space<vmem_shared>> -> memref<80x128xf32, #tpu.memory_space<vmem_shared>>
      tpu.enqueue_dma source(%dma_start3A_178 : memref<80x128xf32, #tpu.memory_space<vmem_shared>>) target(%arg9 : memref<80x128xf32, #tpu.memory_space<vmem>>) target_semaphore(%arg12 : memref<!tpu.dma_semaphore, #tpu.memory_space<semaphore_mem>>)
      %dma_wait3A_179 = arith.constant 0 : i32
      %dma_wait3A_180 = tpu.memref_slice %arg10[%mul3A_174, %dma_wait3A_179] : memref<10000x128xf32, #tpu.memory_space<vmem_shared>> -> memref<80x128xf32, #tpu.memory_space<vmem_shared>>
      %dma_wait3A_181 = arith.constant 0 : i32
      %dma_wait3A_182 = tpu.memref_slice %arg10[%mul3A_174, %dma_wait3A_181] : memref<10000x128xf32, #tpu.memory_space<vmem_shared>> -> memref<80x128xf32, #tpu.memory_space<vmem_shared>>
      tpu.wait_dma2 semaphore(%arg12 : memref<!tpu.dma_semaphore, #tpu.memory_space<semaphore_mem>>) src(%dma_wait3A_182 : memref<80x128xf32, #tpu.memory_space<vmem_shared>>) dst(%arg9 : memref<80x128xf32, #tpu.memory_space<vmem>>)
      %dma_start3A_183 = arith.constant 0 : i32
      %dma_start3A_184 = tpu.memref_slice %arg5[%arg0, %mul3A_174, %dma_start3A_183] : memref<2x10000x128xf32, #tpu.memory_space<hbm>> -> memref<1x80x128xf32, #tpu.memory_space<hbm>>
      %dma_start3A_185 = tpu.memref_squeeze %dma_start3A_184 : memref<1x80x128xf32, #tpu.memory_space<hbm>> -> memref<80x128xf32, #tpu.memory_space<hbm>>
      %dma_start3A_186 = arith.constant 0 : i32
      %dma_start3A_187 = tpu.memref_slice %arg5[%arg0, %mul3A_174, %dma_start3A_186] : memref<2x10000x128xf32, #tpu.memory_space<hbm>> -> memref<1x80x128xf32, #tpu.memory_space<hbm>>
      %dma_start3A_188 = tpu.memref_squeeze %dma_start3A_187 : memref<1x80x128xf32, #tpu.memory_space<hbm>> -> memref<80x128xf32, #tpu.memory_space<hbm>>
      tpu.enqueue_dma source(%arg9 : memref<80x128xf32, #tpu.memory_space<vmem>>) target(%dma_start3A_188 : memref<80x128xf32, #tpu.memory_space<hbm>>) target_semaphore(%arg14 : memref<!tpu.dma_semaphore, #tpu.memory_space<semaphore_mem>>)
    } else {
    }
    %add3A_159 = arith.constant 96 : i32
    %add3A_160 = arith.addi %arg1, %add3A_159 : i32
    %lt3A_161 = arith.constant 125 : i32
    %lt3A_162 = arith.cmpi slt, %add3A_160, %lt3A_161 : i32
    %convert_element_type3A_163 = arith.extui %lt3A_162 : i1 to i32
    %cond3A_164 = arith.constant 0 : i32
    %cond3A_165 = arith.cmpi ne, %convert_element_type3A_163, %cond3A_164 : i32
    scf.if %cond3A_165 {
      %mul3A_173 = arith.constant 80 : i32
      %mul3A_174 = arith.muli %add3A_160, %mul3A_173 : i32
      %dma_wait3A_175 = arith.constant 0 : i32
      %dma_wait3A_176 = tpu.memref_slice %arg5[%arg0, %mul3A_174, %dma_wait3A_175] : memref<2x10000x128xf32, #tpu.memory_space<hbm>> -> memref<1x80x128xf32, #tpu.memory_space<hbm>>
      %dma_wait3A_177 = tpu.memref_squeeze %dma_wait3A_176 : memref<1x80x128xf32, #tpu.memory_space<hbm>> -> memref<80x128xf32, #tpu.memory_space<hbm>>
      %dma_wait3A_178 = arith.constant 0 : i32
      %dma_wait3A_179 = tpu.memref_slice %arg5[%arg0, %mul3A_174, %dma_wait3A_178] : memref<2x10000x128xf32, #tpu.memory_space<hbm>> -> memref<1x80x128xf32, #tpu.memory_space<hbm>>
      %dma_wait3A_180 = tpu.memref_squeeze %dma_wait3A_179 : memref<1x80x128xf32, #tpu.memory_space<hbm>> -> memref<80x128xf32, #tpu.memory_space<hbm>>
      tpu.wait_dma2 semaphore(%arg13 : memref<!tpu.dma_semaphore, #tpu.memory_space<semaphore_mem>>) src(%arg8 : memref<80x128xf32, #tpu.memory_space<vmem>>) dst(%dma_wait3A_180 : memref<80x128xf32, #tpu.memory_space<hbm>>)
    } else {
    }
    %add3A_166 = arith.constant 112 : i32
    %add3A_167 = arith.addi %arg1, %add3A_166 : i32
    %lt3A_168 = arith.constant 125 : i32
    %lt3A_169 = arith.cmpi slt, %add3A_167, %lt3A_168 : i32
    %convert_element_type3A_170 = arith.extui %lt3A_169 : i1 to i32
    %cond3A_171 = arith.constant 0 : i32
    %cond3A_172 = arith.cmpi ne, %convert_element_type3A_170, %cond3A_171 : i32
    scf.if %cond3A_172 {
      %mul3A_173 = arith.constant 80 : i32
      %mul3A_174 = arith.muli %add3A_167, %mul3A_173 : i32
      %dma_wait3A_175 = arith.constant 0 : i32
      %dma_wait3A_176 = tpu.memref_slice %arg5[%arg0, %mul3A_174, %dma_wait3A_175] : memref<2x10000x128xf32, #tpu.memory_space<hbm>> -> memref<1x80x128xf32, #tpu.memory_space<hbm>>
      %dma_wait3A_177 = tpu.memref_squeeze %dma_wait3A_176 : memref<1x80x128xf32, #tpu.memory_space<hbm>> -> memref<80x128xf32, #tpu.memory_space<hbm>>
      %dma_wait3A_178 = arith.constant 0 : i32
      %dma_wait3A_179 = tpu.memref_slice %arg5[%arg0, %mul3A_174, %dma_wait3A_178] : memref<2x10000x128xf32, #tpu.memory_space<hbm>> -> memref<1x80x128xf32, #tpu.memory_space<hbm>>
      %dma_wait3A_180 = tpu.memref_squeeze %dma_wait3A_179 : memref<1x80x128xf32, #tpu.memory_space<hbm>> -> memref<80x128xf32, #tpu.memory_space<hbm>>
      tpu.wait_dma2 semaphore(%arg14 : memref<!tpu.dma_semaphore, #tpu.memory_space<semaphore_mem>>) src(%arg9 : memref<80x128xf32, #tpu.memory_space<vmem>>) dst(%dma_wait3A_180 : memref<80x128xf32, #tpu.memory_space<hbm>>)
    } else {
    }
    return
  }
}

module attributes {stable_mosaic.version = 14 : i64} {
  func.func @body(%arg0: i32, %arg1: memref<2000x128xf32, #tpu.memory_space<vmem>>, %arg2: memref<2000x128xf32, #tpu.memory_space<vmem>>, %arg3: memref<2000x128xf32, #tpu.memory_space<vmem>>, %arg4: memref<2000x1xf32, #tpu.memory_space<vmem>>, %arg5: memref<128x128xf32, #tpu.memory_space<vmem>>, %arg6: memref<2000x128xf32, #tpu.memory_space<vmem>>) attributes {dimension_semantics = [#tpu.dimension_semantics<arbitrary>], iteration_bounds = array<i64: 5>, scalar_prefetch = 0 : i64, scratch_operands = 0 : i64, tpu.core_type = #tpu.core_type<tc>, window_params = [{transform_indices = @transform_0, window_bounds = array<i64: 2000, 128>}, {transform_indices = @transform_1, window_bounds = array<i64: 2000, 128>}, {transform_indices = @transform_2, window_bounds = array<i64: 2000, 128>}, {transform_indices = @transform_3, window_bounds = array<i64: 2000, 1>}, {pipeline_mode = #tpu.pipeline_mode<synchronous>, transform_indices = @transform_4, window_bounds = array<i64: 128, 128>}, {transform_indices = @transform_5, window_bounds = array<i64: 2000, 128>}]} {
    %get3A = arith.constant 0 : index
    %get3A_0 = arith.constant 0 : index
    %get3A_1 = vector.load %arg1[%get3A, %get3A_0] : memref<2000x128xf32, #tpu.memory_space<vmem>>, vector<2000x128xf32>
    %get3A_2 = arith.constant 0 : index
    %get3A_3 = arith.constant 0 : index
    %get3A_4 = vector.load %arg2[%get3A_2, %get3A_3] : memref<2000x128xf32, #tpu.memory_space<vmem>>, vector<2000x128xf32>
    %add3A = arith.addf %get3A_1, %get3A_4 : vector<2000x128xf32>
    %get3A_5 = arith.constant 0 : index
    %get3A_6 = arith.constant 0 : index
    %get3A_7 = vector.load %arg3[%get3A_5, %get3A_6] : memref<2000x128xf32, #tpu.memory_space<vmem>>, vector<2000x128xf32>
    %add3A_8 = arith.addf %add3A, %get3A_7 : vector<2000x128xf32>
    %get3A_9 = arith.constant 0 : index
    %get3A_10 = arith.constant 0 : index
    %get3A_11 = vector.load %arg5[%get3A_9, %get3A_10] : memref<128x128xf32, #tpu.memory_space<vmem>>, vector<128x128xf32>
    %dot_general3A = arith.constant dense<0.000000e+00> : vector<2000x128xf32>
    %dot_general3A_12 = tpu.matmul %add3A_8, %get3A_11, %dot_general3A {dimension_numbers = #tpu.dot_dimension_numbers<[1], [0], [0], [1], [0, 0, 1, 1], [], []>, transpose_lhs_hint = false} : vector<2000x128xf32>, vector<128x128xf32>, vector<2000x128xf32> -> vector<2000x128xf32>
    %get3A_13 = arith.constant 0 : index
    %get3A_14 = arith.constant 0 : index
    %get3A_15 = vector.load %arg4[%get3A_13, %get3A_14] : memref<2000x1xf32, #tpu.memory_space<vmem>>, vector<2000x1xf32>
    %mul3A = vector.broadcast %get3A_15 : vector<2000x1xf32> to vector<2000x128xf32>
    %mul3A_16 = arith.mulf %mul3A, %dot_general3A_12 : vector<2000x128xf32>
    %tanh3A = math.tanh %mul3A_16 : vector<2000x128xf32>
    %swap3A = arith.constant 0 : index
    %swap3A_17 = arith.constant 0 : index
    %swap3A_18 = vector.load %arg6[%swap3A, %swap3A_17] : memref<2000x128xf32, #tpu.memory_space<vmem>>, vector<2000x128xf32>
    tpu.vector_store %arg6[%swap3A, %swap3A_17], %tanh3A {strides = array<i32>} : memref<2000x128xf32, #tpu.memory_space<vmem>>, vector<2000x128xf32>,
    return
  }
  func.func @transform_0(%arg0: i32) -> (i32, i32) {
    %c0_i32 = arith.constant 0 : i32
    %c0_i32_0 = arith.constant 0 : i32
    return %arg0, %c0_i32 : i32, i32
  }
  func.func @transform_1(%arg0: i32) -> (i32, i32) {
    %c0_i32 = arith.constant 0 : i32
    %c0_i32_0 = arith.constant 0 : i32
    return %arg0, %c0_i32 : i32, i32
  }
  func.func @transform_2(%arg0: i32) -> (i32, i32) {
    %c0_i32 = arith.constant 0 : i32
    %c0_i32_0 = arith.constant 0 : i32
    return %arg0, %c0_i32 : i32, i32
  }
  func.func @transform_3(%arg0: i32) -> (i32, i32) {
    %c0_i32 = arith.constant 0 : i32
    %c0_i32_0 = arith.constant 0 : i32
    return %arg0, %c0_i32 : i32, i32
  }
  func.func @transform_4(%arg0: i32) -> (i32, i32) {
    %c0_i32 = arith.constant 0 : i32
    %c0_i32_0 = arith.constant 0 : i32
    %c0_i32_1 = arith.constant 0 : i32
    return %c0_i32, %c0_i32_0 : i32, i32
  }
  func.func @transform_5(%arg0: i32) -> (i32, i32) {
    %c0_i32 = arith.constant 0 : i32
    %c0_i32_0 = arith.constant 0 : i32
    return %arg0, %c0_i32 : i32, i32
  }
}

</mosaic_0001>

<sc_bundles>
// kernel: kernel.4.cloned.1.call-start
scs
__scs_entry_jumppad:
0x0: {  	(pc) =	sbr.rel $0x88, $3  }
0x1: {  	(tag) =	ssettag $0x0;
	lr =	simm.s32 $0x1  }
0x2: {  	[smem:$0x3F9D] =	sst lr;
	_ =	strace $0xD0000000  }
0x3: {  	_ = 	snop  }
0x4: {  	_ = 	snop  }
0x5: {  	_ = 	snop  }
0x6: {  	_ = 	snop  }
0x7: {  	_ = 	snop  }
__scs_overlays_trampoline_lowered:
0x8: {  	[smem:$0x3FAC] =	sst s0  }
0x9: {  	[smem:$0x3FAD] =	sst s1  }
0xa: {  	[smem:$0x3FAE] =	sst s2  }
0xb: {  	[smem:$0x3FAF] =	sst s3  }
0xc: {  	[smem:$0x3FB0] =	sst s4  }
0xd: {  	[smem:$0x3FB1] =	sst s5  }
0xe: {  	[smem:$0x3FB2] =	sst s6  }
0xf: {  	[smem:$0x3FB3] =	sst s7  }
0x10: {  	[smem:$0x3FB4] =	sst s8  }
0x11: {  	[smem:$0x3FB5] =	sst s9;
	s0 =	simm.s32 @!p0 $0x0  }
0x12: {  	s1 =	sld [smem:$0x3F9B];
	s0 =	simm.s32 @p0 $0x1  }
0x13: {  	[smem:$0x3FB6] =	sst s0;
	s0 =	simm.s32 @!p1 $0x0  }
0x14: {  	s2 =	sld [smem:$0x3F9A];
	s0 =	simm.s32 @p1 $0x1  }
0x15: {  	[smem:$0x3FB7] =	sst s0;
	s0 =	simm.s32 @!p2 $0x0  }
0x16: {  	s3 =	sld [smem:$0x3FDB];
	s0 =	simm.s32 @p2 $0x1  }
0x17: {  	s4 =	simm.s32 $0x1BF5;
	[smem:$0x3FB9] =	sst s0  }
0x18: {  	s0 =	sld [smem:$0x3F9C];
	_ =	swait.ge [sflag:s4], $0x0  }
0x19: {  	s7 =	sld [smem:$0x3F9D]  }
0x1a: {  	s8 =	sadd.s32 $0xFFFFE003, lr  }
0x1b: {  	s9 =	sadd.s32 $0xFFFFFEF7, lr;
	s5 =	simm.s32 $0xFFFFFFFF;
	p2 =	slt.u32 s8, $0xFFFFF086  }
0x1c: {  	p1 =	slt.u32 s9, $0xF7A;
	s5 =	simm.s32 @!p2 $0x0  }
0x1d: {  	s5 =	simm.s32 @p1 $0x1;
	p0 =	seq.s32 s7, s2  }
0x1e: {  	s7 =	smul.u32 @!p0 $0xF7A, s2;
	p2 =	seq.s32 @!p0 s5, $0x0  }
0x1f: {  	s9 =	smul.u32 $0xF7A, s1;
	s8 =	simm.s32 @!p0 $0x1BF5;
	p2 =	por !p2, p0  }
0x20: {  	[sflag:s8] =	ssyncset.s32 @!p0 $0xFFFFF086;
	s6 =	sadd.s32 @!p0 s3, s7;
	s7 =	simm.s32 @!p0 $0x108  }
0x21: {  	s3 =	sadd.s32 s3, s9;
	s6 =	sadd.s32 @!p0 $0x88, s6;
	s7 =	simm.s32 @p2 $0x1082  }
0x22: {  	[simem:s7], [sflag:s8] =	dma.local @!p0 [hbm:s6], $0xF7A  }
0x23: {  	s9 =	sor.u32 $0xD0000000, s2;
	s6 =	simm.s32 $0x108;
	_ =	swait.ge @!p0 [sflag:s8], $0x0  }
0x24: {  	s3 =	sadd.s32 $0x88, s3;
	s6 =	simm.s32 @!p1 $0x1082;
	[sflag:s4] =	ssyncset.s32 $0xFFFFF086  }
0x25: {  	[simem:s6], [sflag:s4] =	dma.local [hbm:s3], $0xF7A  }
0x26: {  	[smem:$0x3F9D] =	sst s1;
	(tag) =	ssettag s2;
	_ =	strace s9  }
0x27: {  	s1 =	sld [smem:$0x3FAD]  }
0x28: {  	s2 =	sld [smem:$0x3FAE]  }
0x29: {  	s4 =	sld [smem:$0x3FB0]  }
0x2a: {  	p0 =	seq.s32 s5, $0x0;
	s5 =	sld [smem:$0x3FB1]  }
0x2b: {  	s6 =	sld [smem:$0x3FB2]  }
0x2c: {  	s7 =	sld [smem:$0x3FB3]  }
0x2d: {  	s3 =	simm.s32 $0x108;
	s8 =	sld [smem:$0x3FB4]  }
0x2e: {  	s3 =	simm.s32 @!p0 $0x1082;
	s9 =	sld [smem:$0x3FB5]  }
0x2f: {  	lr =	sadd.s32 s0, s3;
	s0 =	sld [smem:$0x3FAC]  }
0x30: {  	s3 =	sld [smem:$0x3FAF]  }
0x31: {  	[smem:$0x3FB8] =	sst s10  }
0x32: {  	s10 =	sld [smem:$0x3FB6];
	_ =	sdelay $0x3  }
0x33: {  	p0 =	seq.s32 s10, $0x1;
	s10 =	sld [smem:$0x3FB8];
	_ =	sdelay $0x3  }
0x34: {  	[smem:$0x3FB8] =	sst s10  }
0x35: {  	s10 =	sld [smem:$0x3FB7];
	_ =	sdelay $0x3  }
0x36: {  	p1 =	seq.s32 s10, $0x1;
	s10 =	sld [smem:$0x3FB8];
	_ =	sdelay $0x3  }
0x37: {  	[smem:$0x3FB8] =	sst s10  }
0x38: {  	s10 =	sld [smem:$0x3FB9]  }
0x39: {  	_ = 	snop;
	(pc) =	sbr.ind lr, $3  }
0x3a: {  	_ = 	snop  }
0x3b: {  	_ = 	snop  }
0x3c: {  	p2 =	seq.s32 s10, $0x1;
	s10 =	sld [smem:$0x3FB8]  }
0x3d: {  	_ =	shalt  }
0x3e: {  	_ =	shalt  }
0x3f: {  	_ =	shalt  }
0x40: {  	_ =	shalt  }
0x41: {  	_ =	shalt  }
0x42: {  	_ =	shalt  }
0x43: {  	_ =	shalt  }
0x44: {  	_ =	shalt  }
0x45: {  	_ =	shalt  }
0x46: {  	_ =	shalt  }
0x47: {  	_ =	shalt  }
0x48: {  	_ =	shalt  }
0x49: {  	_ =	shalt  }
0x4a: {  	_ =	shalt  }
0x4b: {  	_ =	shalt  }
0x4c: {  	_ =	shalt  }
0x4d: {  	_ =	shalt  }
0x4e: {  	_ =	shalt  }
0x4f: {  	_ =	shalt  }
0x50: {  	_ =	shalt  }
0x51: {  	_ =	shalt  }
0x52: {  	_ =	shalt  }
0x53: {  	_ =	shalt  }
0x54: {  	_ =	shalt  }
0x55: {  	_ =	shalt  }
0x56: {  	_ =	shalt  }
0x57: {  	_ =	shalt  }
0x58: {  	_ =	shalt  }
0x59: {  	_ =	shalt  }
0x5a: {  	_ =	shalt  }
0x5b: {  	_ =	shalt  }
0x5c: {  	_ =	shalt  }
0x5d: {  	_ =	shalt  }
0x5e: {  	_ =	shalt  }
0x5f: {  	_ =	shalt  }
0x60: {  	_ =	shalt  }
0x61: {  	_ =	shalt  }
0x62: {  	_ =	shalt  }
0x63: {  	_ =	shalt  }
0x64: {  	_ =	shalt  }
0x65: {  	_ =	shalt  }
0x66: {  	_ =	shalt  }
0x67: {  	_ =	shalt  }
0x68: {  	_ =	shalt  }
0x69: {  	_ =	shalt  }
0x6a: {  	_ =	shalt  }
0x6b: {  	_ =	shalt  }
0x6c: {  	_ =	shalt  }
0x6d: {  	_ =	shalt  }
0x6e: {  	_ =	shalt  }
0x6f: {  	_ =	shalt  }
0x70: {  	_ =	shalt  }
0x71: {  	_ =	shalt  }
0x72: {  	_ =	shalt  }
0x73: {  	_ =	shalt  }
0x74: {  	_ =	shalt  }
0x75: {  	_ =	shalt  }
0x76: {  	_ =	shalt  }
0x77: {  	_ =	shalt  }
0x78: {  	_ =	shalt  }
0x79: {  	_ =	shalt  }
0x7a: {  	_ =	shalt  }
0x7b: {  	_ =	shalt  }
0x7c: {  	_ =	shalt  }
0x7d: {  	_ =	shalt  }
0x7e: {  	_ =	shalt  }
0x7f: {  	_ =	shalt  }
0x80: {  	_ =	shalt  }
0x81: {  	_ =	shalt  }
0x82: {  	_ =	shalt  }
0x83: {  	_ =	shalt  }
0x84: {  	_ =	shalt  }
0x85: {  	_ =	shalt  }
0x86: {  	_ =	shalt  }
0x87: {  	_ =	shalt  }
.Lfunc_end0:
.L_simem_size_0:
called_computation_lowered:
.L_overlay_start_0:
0x88: {  	s2 =	sld [smem:$0x3FD9]  }
0x89: {  	s3 =	sld [smem:$0x3FFE];
	_ =	sdelay $0x1  }
0x8a: {  	s1 =	srdreg.scid  }
0x8b: {  	s0 =	sand.u32 $0x1, s1  }
0x8c: {  	s17 =	sshll.u32 s0, $0xA;
	s2 =	sadd.s32 s3, s2  }
0x8d: {  	s2 =	sadd.s32 s2, s17  }
0x8e: {  	[smem:$0x3FC4] =	sst s2  }
0x8f: {  	_ = 	snop  }
0x90: {  	s2 =	sld [smem:$0x3FC9]  }
0x91: {  	s18 =	sld [smem:$0x3FD0];
	(tm) =	ssettm $0x1  }
0x92: {  	s4 =	sld [smem:$0x3FFB];
	_ =	sdelay $0x3  }
0x93: {  	_ =	strace s4  }
0x94: {  	s4 =	sld [smem:$0x3FFC];
	_ =	sdelay $0x3  }
0x95: {  	_ =	strace s4  }
0x96: {  	s4 =	sld [smem:$0x3FFD];
	_ =	sdelay $0x3  }
0x97: {  	_ =	strace s4  }
0x98: {  	_ =	strace $0x8FFFFFFF  }
0x99: {  	s19 =	sld [smem:$0x3FDB];
	_ =	sdelay $0x1  }
0x9a: {  	s5 =	simm.s32 $_scs_section_size  }
0x9b: {  	s6 =	simm.s32 $_size__tile_overlayer_lowered;
	s7 =	simm.s32 $_tile_overlayer_lowered  }
0x9c: {  	s22 =	simm.s32 $0x1BFF;
	s21 =	sshll.u32 s7, $0x1;
	s4 =	sadd.s32 s5, s19  }
0x9d: {  	s8 =	simm.s32 $0x0;
	s20 =	sshll.u32 s6, $0x1;
	s6 =	sadd.s32 s21, s4  }
0x9e: {  	[timem:s8], [sflag:s22] =	dma.local [hbm:s6], s20  }
0x9f: {  	_ =	swait.ge [sflag:s22], s20  }
0xa0: {  	s5 =	ssub.s32 $0x0, s20;
	[sflag:s22] =	ssyncset.done $0x0  }
0xa1: {  	[sflag:s22] =	ssyncadd.s32 s5;
	_ =	sdelay $0x1  }
0xa2: {  	s23 =	simm.s32 $0x1B8B  }
0xa3: {  	_ =	swait.ge [sflag:s23], $0x1  }
0xa4: {  	[sflag:s23] =	ssyncset.done $0x0  }
0xa5: {  	s25 =	simm.s32 $0x1B8E;
	s24 =	sld [smem:$0x3FFE];
	[sflag:s23] =	ssyncadd.s32 $0xFFFFFFFF  }
0xa6: {  	s26 =	simm.s32 $execute0_lowered;
	[smem:$0x3FD2] =	sst s25  }
0xa7: {  	s6 =	sshll.u32 s26, $0x1;
	_ =	strace $0x80000046;
	[dreg:$0x1] =	wrdreg $0xFFFFFFFF  }
0xa8: {  	s28 =	simm.s32 $_size_execute0_lowered;
	s4 =	sadd.s32 s4, s6;
	[dreg:$0x0] =	wrdreg $0x0  }
0xa9: {  	s6 =	sshll.u32 s28, $0x1;
	[dreg:$0x2] =	wrdreg s4  }
0xaa: {  	[dreg:$0x3] =	wrdreg s6  }
0xab: {  	[dreg:$0x4] =	wrdreg $0xC0  }
0xac: {  	_ =	task [dreg:s8], $0x5FFFF  }
0xad: {  	[dreg:$0x1] =	wrdreg $0xFFFFFFFF  }
0xae: {  	[dreg:$0x0] =	wrdreg $0x60  }
0xaf: {  	[dreg:$0x2] =	wrdreg s2  }
0xb0: {  	[dreg:$0x3] =	wrdreg s24  }
0xb1: {  	[dreg:$0x4] =	wrdreg s18  }
0xb2: {  	[dreg:$0x5] =	wrdreg $0xB7800  }
0xb3: {  	[dreg:$0x6] =	wrdreg $0x9  }
0xb4: {  	_ =	task.clear_ibuf [dreg:s8], $0x7FFFF;
	_ =	strace $0x90000046  }
0xb5: {  	s29 =	simm.s32 $0x9;
	_ =	strace $0x80000048  }
0xb6: {  	_ =	swait.ge [sflag:s29], $0x1  }
0xb7: {  	[sflag:s29] =	ssyncadd.s32 $0xFFFFFFFF  }
0xb8: {  	_ =	strace $0x90000048  }
0xb9: {  	_ =	sfence  }
0xba: {  	s30 =	sld [smem:$0x0];
	_ =	sdelay $0x2  }
0xbb: {  	s31 =	sshll.u32 s1, $0xD;
	s1 =	sshrl.u32 s1, $0x2  }
0xbc: {  	s3 =	sand.u32 $0x4000, s31;
	s1 =	sadd.s32 s1, s30  }
0xbd: {  	s0 =	sor.u32 s3, s0;
	s1 =	sshll.u32 s1, $0x11  }
0xbe: {  	s0 =	sor.u32 s1, s0  }
0xbf: {  	s0 =	sadd.s32 $0x8F2B, s0  }
0xc0: {  	[sflag:s0] =	ssyncadd.remote.s32 $0x1  }
0xc1: {  	_ =	sfence.sel $0xFFFF  }
0xc2: {  	[dreg:$0x0] =	wrdreg $0xFFFFFFFF;
	(pc) =	sbr.abs _section_cstart, $3  }
0xc3: {  	[dreg:$0x1] =	wrdreg $0xFFFFFFFF  }
0xc4: {  	_ =	task.clear_ibuf [dreg:s8], $0x2FFFF;
	_ =	strace $0x9FFFFFFF  }
0xc5: {  	(tm) =	ssettm $0x7FFFFFFF  }
tec
execute0_lowered:
.L_overlay_start_1:
0x0: {  	(tag) =	ssettag $0x1  }
0x1: {  	s1 =	rddreg [dreg:$0x0]  }
0x2: {  	s0 =	rddreg [dreg:$0x1]  }
0x3: {  	s2 =	srdreg.scid;
	s5 =	rddreg [dreg:$0x2]  }
0x4: {  	s10 =	stileid.u32;
	s3 =	rddreg [dreg:$0x3]  }
0x5: {  	s28 =	simm.s32 $0x1;
	s29 =	simm.s32 $0x2;
	s30 =	simm.s32 $0x50  }
0x6: {  	s31 =	simm.s32 $0x8F80;
	s2 =	sand.u32 $0x1, s2;
	s24 =	smul.u32 $0x2800, s10  }
0x7: {  	s4 =	sshll.u32 s10, $0x1;
	s25 =	smul.u32 $0xA000, s10;
	s26 =	sor.u32 $0x10, s10  }
0x8: {  	s15 =	sor.u32 $0x20, s10;
	s20 =	sor.u32 $0x40, s10;
	s17 =	smul.u32 $0x138800, s2  }
0x9: {  	p1 =	sgt.u32 s10, $0xC;
	s6 =	sor.u32 s2, s4;
	s12 =	smul.u32 $0xA000, s26  }
0xa: {  	s4 =	simm.s32 $0x0;
	s8 =	ssub.s32 $0x2, s2;
	s14 =	smul.u32 $0x2800, s26  }
0xb: {  	s7 =	smul.u32 $0x4E2, s6;
	[smem:$0x7FF] =	sst s4;
	s9 =	sshrl.u32 s8, $0x1  }
0xc: {  	s6 =	sshll.u32 s6, $0xB;
	s13 =	sshrl.u32 s25, $0x2;
	_ =	strace $0x80000047  }
0xd: {  	s2 =	ssub.s32 s8, s9;
	s5 =	sadd.s32 s5, s6;
	s11 =	sadd.s32 s24, s17  }
0xe: {  	s6 =	sshrl.u32 s12, $0x2;
	s8 =	sadd.s32 s17, s14;
	s12 =	sor.u32 $0x30, s10  }
0xf: {  	s24 =	sor.u32 $0x70, s10;
	s7 =	sadd.s32 s7, s0;
	s0 =	sadd.s32 $0xA800, s0  }
0x10: {  	[dreg:$0x6] =	wrdreg s5;
	s5 =	sshrl.u32 s11, $0x3;
	s11 =	smul.u32 $0xA000, s15  }
0x11: {  	s8 =	sshrl.u32 s8, $0x3;
	s9 =	sadd.s32 s6, s3;
	s18 =	smul.u32 $0xA000, s12  }
0x12: {  	s12 =	smul.u32 $0x2800, s12;
	s7 =	sadd.s32 $0xA00, s7;
	s5 =	sadd.s32 s0, s5  }
0x13: {  	s16 =	sadd.s32 s0, s8;
	s8 =	smul.u32 $0x2800, s20;
	[dreg:$0x5] =	wrdreg s7  }
0x14: {  	p0 =	sgt.u32 s24, $0x7C;
	[dreg:$0x7] =	wrdreg s5;
	s5 =	smul.u32 $0x2800, s15  }
0x15: {  	s7 =	sadd.s32 s13, s3;
	[dreg:$0x8] =	wrdreg s16;
	s15 =	smul.u32 $0xA000, s20  }
0x16: {  	s14 =	sadd.s32 s17, s12;
	s16 =	sor.u32 $0x50, s10;
	s12 =	smul.u32 $0x2800, s24  }
0x17: {  	s19 =	sshrl.u32 s11, $0x2;
	s6 =	sshrl.u32 s18, $0x2;
	s23 =	smul.u32 $0xA000, s16  }
0x18: {  	s18 =	sor.u32 $0x60, s10;
	s11 =	sadd.s32 s19, s3;
	s26 =	smul.u32 $0x2800, s16  }
0x19: {  	s13 =	sadd.s32 s6, s3;
	s21 =	sshrl.u32 s14, $0x3;
	s19 =	smul.u32 $0x2800, s18  }
0x1a: {  	s25 =	sadd.s32 s17, s8;
	s20 =	smul.u32 $0xA000, s18;
	s5 =	sadd.s32 s17, s5  }
0x1b: {  	s22 =	sshrl.u32 s15, $0x2;
	s14 =	sadd.s32 s0, s21;
	s6 =	sshrl.u32 s25, $0x3  }
0x1c: {  	s5 =	sshrl.u32 s5, $0x3;
	s15 =	sadd.s32 s22, s3;
	s16 =	sadd.s32 s0, s6  }
0x1d: {  	s8 =	sadd.s32 s17, s26;
	s21 =	sadd.s32 s17, s19;
	s22 =	smul.u32 $0xA000, s24  }
0x1e: {  	s20 =	sshrl.u32 s20, $0x2;
	s24 =	simm.s32 $0x0;
	s5 =	sadd.s32 s0, s5  }
0x1f: {  	s6 =	sshrl.u32 s8, $0x3;
	s8 =	sadd.s32 s17, s12;
	s19 =	sadd.s32 s20, s3  }
0x20: {  	[dreg:$0x9] =	wrdreg s5;
	s5 =	sshrl.u32 s23, $0x2;
	s18 =	sadd.s32 s0, s6  }
0x21: {  	s23 =	sshrl.u32 s21, $0x3;
	s25 =	sshrl.u32 s22, $0x2;
	s26 =	sshrl.u32 s8, $0x3  }
0x22: {  	s17 =	sadd.s32 s5, s3;
	s20 =	sadd.s32 s0, s23;
	s21 =	sadd.s32 s25, s3  }
0x23: {  	s22 =	sadd.s32 s0, s26;
	s23 =	smax.u32 s2, $0x1;
	s25 =	simm.s32 $0x6780  }
0x24: {  	v0 =	vimm.f32 $0.0e+00;
	s26 =	simm.s32 $0x3;
	s2 =	simm.s32 $0x4;
	s0 =	simm.s32 $0x5  }
.LBB2_1:
0x25: {  	s5 =	rddreg [dreg:$0x5]  }
0x26: {  	[tilespmem:s4], [sflag:$0x1] =	stream.linear.gather [hbm4b:s5+s4], $0x2710, $0x38;
	[tilespmem:$0x1F000] =	vst v63  }
0x27: {  	s8 =	rddreg [dreg:$0x6];
	s6 =	simm.s32 $0x2780;
	s10 =	sand.u32 $0xFE00, s4  }
0x28: {  	[tilespmem:s6], [sflag:$0x2] =	stream.linear.gather [hbm4b:s8+s4], $0x3E80, $0x38;
	[tilespmem:$0x1F000] =	vst v63  }
0x29: {  	s12 =	sand.u32 $0x70, s4;
	s8 =	sshrl.u32 s10, $0x2  }
0x2a: {  	s5 =	simm.s32 $0x40;
	s6 =	simm.s32 $0x0;
	s8 =	sor.u32 s12, s8  }
.LBB2_2:
0x2b: {  	p2 =	sne.s32 s5, $0x9FC0  }
0x2c: {  	[tilespmem:s8+$0x6780] =	vst v0;
	s6 =	sadd.s32 $0x10, s6;
	s8 =	smov.u32 s5;
	s5 =	sadd.s32 $0x40, s5  }
.Ltmp0:
0x2d: {  	(pc) =	sbr.rel @p2 .LBB2_2-.Ltmp0, $4  }
0x2e: {  	_ = 	snop  }
0x2f: {  	s8 =	sand.u32 $0xFE00, s8  }
0x30: {  	s10 =	sand.u32 $0x70, s6;
	s8 =	sshrl.u32 s8, $0x2  }
0x31: {  	s8 =	sor.u32 s10, s8  }
0x32: {  	[tilespmem:s8+$0x6780] =	vst v0  }
0x33: {  	[spmem:s7] =	stream.linear.scatter [tilespmem:s25], [sflag:$0x3], $0x2800, $0x38;
	[tilespmem:$0x1F000] =	vst v63  }
0x34: {  	_ = 	snop  }
0x35: {  	[spmem:s9] =	stream.linear.scatter [tilespmem:s25], [sflag:$0x3], $0x2800, $0x38;
	[tilespmem:$0x1F000] =	vst v63  }
0x36: {  	_ = 	snop  }
0x37: {  	[spmem:s11] =	stream.linear.scatter [tilespmem:s25], [sflag:$0x3], $0x2800, $0x38;
	[tilespmem:$0x1F000] =	vst v63  }
0x38: {  	_ = 	snop  }
0x39: {  	[spmem:s13] =	stream.linear.scatter [tilespmem:s25], [sflag:$0x3], $0x2800, $0x38;
	[tilespmem:$0x1F000] =	vst v63  }
0x3a: {  	_ = 	snop  }
0x3b: {  	[spmem:s15] =	stream.linear.scatter [tilespmem:s25], [sflag:$0x3], $0x2800, $0x38;
	[tilespmem:$0x1F000] =	vst v63  }
0x3c: {  	_ = 	snop  }
0x3d: {  	[spmem:s17] =	stream.linear.scatter [tilespmem:s25], [sflag:$0x3], $0x2800, $0x38;
	[tilespmem:$0x1F000] =	vst v63  }
0x3e: {  	_ = 	snop  }
0x3f: {  	[spmem:s19] =	stream.linear.scatter [tilespmem:s25], [sflag:$0x3], $0x2800, $0x38;
	[tilespmem:$0x1F000] =	vst v63  }
0x40: {  	s5 =	simm.s32 @!p0 $0x6780  }
0x41: {  	[spmem:s21] =	stream.linear.scatter @!p0 [tilespmem:s5], [sflag:$0x3], $0x2800, $0x38;
	[tilespmem:$0x1F000] =	vst v63  }
0x42: {  	_ =	swait.ge [sflag:s26], $0x2800  }
0x43: {  	[sflag:s26] =	ssyncset.done $0x0  }
0x44: {  	[sflag:s26] =	ssyncadd.s32 $0xFFFFD800  }
0x45: {  	_ =	swait.ge [sflag:s26], $0x2800  }
0x46: {  	[sflag:s26] =	ssyncset.done $0x0  }
0x47: {  	[sflag:s26] =	ssyncadd.s32 $0xFFFFD800  }
0x48: {  	_ =	swait.ge [sflag:s26], $0x2800  }
0x49: {  	[sflag:s26] =	ssyncset.done $0x0  }
0x4a: {  	[sflag:s26] =	ssyncadd.s32 $0xFFFFD800  }
0x4b: {  	_ =	swait.ge [sflag:s26], $0x2800  }
0x4c: {  	[sflag:s26] =	ssyncset.done $0x0  }
0x4d: {  	[sflag:s26] =	ssyncadd.s32 $0xFFFFD800  }
0x4e: {  	_ =	swait.ge [sflag:s26], $0x2800  }
0x4f: {  	[sflag:s26] =	ssyncset.done $0x0  }
0x50: {  	[sflag:s26] =	ssyncadd.s32 $0xFFFFD800  }
0x51: {  	_ =	swait.ge [sflag:s26], $0x2800  }
0x52: {  	[sflag:s26] =	ssyncset.done $0x0  }
0x53: {  	[sflag:s26] =	ssyncadd.s32 $0xFFFFD800  }
0x54: {  	_ =	swait.ge [sflag:s26], $0x2800  }
0x55: {  	[sflag:s26] =	ssyncset.done $0x0  }
0x56: {  	s5 =	simm.s32 @!p1 $0x3;
	[sflag:s26] =	ssyncadd.s32 $0xFFFFD800  }
0x57: {  	_ =	swait.ge @!p1 [sflag:s5], $0x2800  }
0x58: {  	[sflag:s5] =	ssyncset.done @!p1 $0x0  }
0x59: {  	[sflag:s5] =	ssyncadd.s32 @!p1 $0xFFFFD800  }
0x5a: {  	_ =	swait.ge [sflag:s28], $0x2710  }
0x5b: {  	[sflag:s28] =	ssyncset.done $0x0  }
0x5c: {  	[sflag:s28] =	ssyncadd.s32 $0xFFFFD8F0  }
0x5d: {  	_ =	swait.ge [sflag:s29], $0x3E80  }
0x5e: {  	[sflag:s29] =	ssyncset.done $0x0  }
0x5f: {  	[sflag:s29] =	ssyncadd.s32 $0xFFFFC180  }
0x60: {  	s6 =	simm.s32 $0x0;
	[bflag:$0x0] =	sbarrier.arrive $0xFFFF  }
0x61: {  	[tilespmem:s25], [sflag:$0x1] =	stream.indirect.gather [hbm4b:s1+s30], $0x80, s6, s30, $0xb8;
	[tilespmem:$0x1F000] =	vst v63  }
0x62: {  	_ = 	snop  }
0x63: {  	[tilespmem:s31], [sflag:$0x2] =	stream.indirect.gather [hbm4b:s1+s30], $0x80, s30, s30, $0xb8;
	[tilespmem:$0x1F000] =	vst v63  }
0x64: {  	_ =	swait.ge [sflag:s28], $0x2800  }
0x65: {  	[sflag:s28] =	ssyncset.done $0x0  }
0x66: {  	s8 =	simm.s32 $0x2780;
	[sflag:s28] =	ssyncadd.s32 $0xFFFFD800  }
0x67: {  	[spmem:s3] =	stream.indirect.scatter.add.f32 [tilespmem:s25], [sflag:$0x3], $0x80, s8, s30, $0xb8;
	[tilespmem:$0x1F000] =	vst v63  }
0x68: {  	_ =	swait.ge [sflag:s29], $0x2800  }
0x69: {  	[sflag:s29] =	ssyncset.done $0x0  }
0x6a: {  	s10 =	simm.s32 $0x2800;
	[sflag:s29] =	ssyncadd.s32 $0xFFFFD800  }
0x6b: {  	[spmem:s3] =	stream.indirect.scatter.add.f32 [tilespmem:s31], [sflag:$0x4], $0x80, s10, s30, $0xb8;
	[tilespmem:$0x1F000] =	vst v63  }
0x6c: {  	_ =	swait.ge [sflag:s26], $0x2800  }
0x6d: {  	[sflag:s26] =	ssyncset.done $0x0  }
0x6e: {  	s12 =	simm.s32 $0xA0;
	[sflag:s26] =	ssyncadd.s32 $0xFFFFD800  }
0x6f: {  	[tilespmem:s25], [sflag:$0x1] =	stream.indirect.gather [hbm4b:s1+s30], $0x80, s12, s30, $0xb8;
	[tilespmem:$0x1F000] =	vst v63  }
0x70: {  	_ =	swait.ge [sflag:s2], $0x2800  }
0x71: {  	s5 =	simm.s32 $0xF0;
	[sflag:s2] =	ssyncset.done $0x0  }
0x72: {  	s6 =	simm.s32 $0x400;
	s8 =	simm.s32 $0x190;
	[sflag:s2] =	ssyncadd.s32 $0xFFFFD800  }
.LBB2_4:
0x73: {  	[tilespmem:s31], [sflag:$0x2] =	stream.indirect.gather [hbm4b:s1+s30], $0x80, s5, s30, $0xb8;
	[tilespmem:$0x1F000] =	vst v63  }
0x74: {  	s10 =	smov.u32 s6;
	s5 =	smov.u32 s8  }
0x75: {  	p2 =	sne.s32 s6, $0xF000;
	s6 =	sadd.s32 $0x400, s6;
	_ =	swait.ge [sflag:s28], $0x2800  }
0x76: {  	s10 =	sshra.s32 s10, $0x2;
	[sflag:s28] =	ssyncset.done $0x0  }
0x77: {  	s12 =	sadd.s32 $0x2780, s10;
	[sflag:s28] =	ssyncadd.s32 $0xFFFFD800  }
0x78: {  	[spmem:s3] =	stream.indirect.scatter.add.f32 [tilespmem:s25], [sflag:$0x3], $0x80, s12, s30, $0xb8;
	[tilespmem:$0x1F000] =	vst v63  }
0x79: {  	_ =	swait.ge [sflag:s29], $0x2800  }
0x7a: {  	[sflag:s29] =	ssyncset.done $0x0  }
0x7b: {  	s10 =	sadd.s32 $0x2800, s10;
	[sflag:s29] =	ssyncadd.s32 $0xFFFFD800  }
0x7c: {  	[spmem:s3] =	stream.indirect.scatter.add.f32 [tilespmem:s31], [sflag:$0x4], $0x80, s10, s30, $0xb8;
	[tilespmem:$0x1F000] =	vst v63  }
0x7d: {  	_ =	swait.ge [sflag:s26], $0x2800  }
0x7e: {  	[sflag:s26] =	ssyncset.done $0x0  }
.Ltmp1:
0x7f: {  	s10 =	sadd.s32 $0xFFFFFFB0, s8;
	[sflag:s26] =	ssyncadd.s32 $0xFFFFD800;
	(pc) =	sbr.rel @p2 .LBB2_4-.Ltmp1, $4  }
0x80: {  	[tilespmem:s25], [sflag:$0x1] =	stream.indirect.gather [hbm4b:s1+s30], $0x80, s10, s30, $0xb8;
	[tilespmem:$0x1F000] =	vst v63  }
0x81: {  	_ =	swait.ge [sflag:s2], $0x2800  }
0x82: {  	[sflag:s2] =	ssyncset.done $0x0  }
0x83: {  	s8 =	sadd.s32 $0xA0, s8;
	[sflag:s2] =	ssyncadd.s32 $0xFFFFD800  }
0x84: {  	[tilespmem:s31], [sflag:$0x2] =	stream.indirect.gather [hbm4b:s1+s30], $0x80, s5, s30, $0xb8;
	[tilespmem:$0x1F000] =	vst v63  }
0x85: {  	_ =	swait.ge [sflag:s28], $0x2800  }
0x86: {  	[sflag:s28] =	ssyncset.done $0x0  }
0x87: {  	s8 =	simm.s32 $0x6480;
	[sflag:s28] =	ssyncadd.s32 $0xFFFFD800  }
0x88: {  	[spmem:s3] =	stream.indirect.scatter.add.f32 [tilespmem:s25], [sflag:$0x3], $0x80, s8, s30, $0xb8;
	[tilespmem:$0x1F000] =	vst v63  }
0x89: {  	_ =	swait.ge [sflag:s29], $0x2800  }
0x8a: {  	[sflag:s29] =	ssyncset.done $0x0  }
0x8b: {  	s10 =	simm.s32 $0x6500;
	[sflag:s29] =	ssyncadd.s32 $0xFFFFD800  }
0x8c: {  	[spmem:s3] =	stream.indirect.scatter.add.f32 [tilespmem:s31], [sflag:$0x4], $0x80, s10, s30, $0xb8;
	[tilespmem:$0x1F000] =	vst v63  }
0x8d: {  	_ =	swait.ge [sflag:s26], $0x2800  }
0x8e: {  	[sflag:s26] =	ssyncset.done $0x0  }
0x8f: {  	s12 =	simm.s32 $0x26C0;
	[sflag:s26] =	ssyncadd.s32 $0xFFFFD800  }
0x90: {  	[tilespmem:s25], [sflag:$0x1] =	stream.indirect.gather [hbm4b:s1+s30], $0x80, s12, s30, $0xb8;
	[tilespmem:$0x1F000] =	vst v63  }
0x91: {  	_ =	swait.ge [sflag:s2], $0x2800  }
0x92: {  	[sflag:s2] =	ssyncset.done $0x0  }
0x93: {  	[sflag:s2] =	ssyncadd.s32 $0xFFFFD800  }
0x94: {  	_ =	swait.ge [sflag:s28], $0x2800  }
0x95: {  	[sflag:s28] =	ssyncset.done $0x0  }
0x96: {  	s6 =	simm.s32 $0x6580;
	[sflag:s28] =	ssyncadd.s32 $0xFFFFD800  }
0x97: {  	[spmem:s3] =	stream.indirect.scatter.add.f32 [tilespmem:s25], [sflag:$0x5], $0x80, s6, s30, $0xb8;
	[tilespmem:$0x1F000] =	vst v63  }
0x98: {  	_ =	swait.ge [sflag:s0], $0x2800  }
0x99: {  	[sflag:s0] =	ssyncset.done $0x0  }
0x9a: {  	[sflag:s0] =	ssyncadd.s32 $0xFFFFD800  }
0x9b: {  	[bflag:$0x0] =	sbarrier.arrive $0xFFFF  }
0x9c: {  	[tilespmem:s25], [sflag:$0x1] =	stream.linear.gather [spmem:s7], $0x2800, $0x38;
	[tilespmem:$0x1F000] =	vst v63  }
0x9d: {  	_ =	swait.ge [sflag:s28], $0x2800  }
0x9e: {  	[sflag:s28] =	ssyncset.done $0x0  }
0x9f: {  	s8 =	rddreg [dreg:$0x7];
	[sflag:s28] =	ssyncadd.s32 $0xFFFFD800  }
0xa0: {  	[hbm4b:s8+s4] =	stream.linear.scatter [tilespmem:s25], [sflag:$0x3], $0x2800, $0x38;
	[tilespmem:$0x1F000] =	vst v63  }
0xa1: {  	_ = 	snop  }
0xa2: {  	[tilespmem:s31], [sflag:$0x2] =	stream.linear.gather [spmem:s9], $0x2800, $0x38;
	[tilespmem:$0x1F000] =	vst v63  }
0xa3: {  	_ =	swait.ge [sflag:s29], $0x2800  }
0xa4: {  	[sflag:s29] =	ssyncset.done $0x0  }
0xa5: {  	s10 =	rddreg [dreg:$0x8];
	[sflag:s29] =	ssyncadd.s32 $0xFFFFD800  }
0xa6: {  	[hbm4b:s10+s4] =	stream.linear.scatter [tilespmem:s31], [sflag:$0x4], $0x2800, $0x38;
	[tilespmem:$0x1F000] =	vst v63  }
0xa7: {  	_ =	swait.ge [sflag:s26], $0x2800  }
0xa8: {  	[sflag:s26] =	ssyncset.done $0x0  }
0xa9: {  	[sflag:s26] =	ssyncadd.s32 $0xFFFFD800  }
0xaa: {  	[tilespmem:s25], [sflag:$0x1] =	stream.linear.gather [spmem:s11], $0x2800, $0x38;
	[tilespmem:$0x1F000] =	vst v63  }
0xab: {  	_ =	swait.ge [sflag:s28], $0x2800  }
0xac: {  	[sflag:s28] =	ssyncset.done $0x0  }
0xad: {  	s12 =	rddreg [dreg:$0x9];
	[sflag:s28] =	ssyncadd.s32 $0xFFFFD800  }
0xae: {  	[hbm4b:s12+s4] =	stream.linear.scatter [tilespmem:s25], [sflag:$0x3], $0x2800, $0x38;
	[tilespmem:$0x1F000] =	vst v63  }
0xaf: {  	_ =	swait.ge [sflag:s2], $0x2800  }
0xb0: {  	[sflag:s2] =	ssyncset.done $0x0  }
0xb1: {  	[sflag:s2] =	ssyncadd.s32 $0xFFFFD800  }
0xb2: {  	[tilespmem:s31], [sflag:$0x2] =	stream.linear.gather [spmem:s13], $0x2800, $0x38;
	[tilespmem:$0x1F000] =	vst v63  }
0xb3: {  	_ =	swait.ge [sflag:s29], $0x2800  }
0xb4: {  	[sflag:s29] =	ssyncset.done $0x0  }
0xb5: {  	[sflag:s29] =	ssyncadd.s32 $0xFFFFD800  }
0xb6: {  	[hbm4b:s14+s4] =	stream.linear.scatter [tilespmem:s31], [sflag:$0x4], $0x2800, $0x38;
	[tilespmem:$0x1F000] =	vst v63  }
0xb7: {  	_ =	swait.ge [sflag:s26], $0x2800  }
0xb8: {  	[sflag:s26] =	ssyncset.done $0x0  }
0xb9: {  	[sflag:s26] =	ssyncadd.s32 $0xFFFFD800  }
0xba: {  	[tilespmem:s25], [sflag:$0x1] =	stream.linear.gather [spmem:s15], $0x2800, $0x38;
	[tilespmem:$0x1F000] =	vst v63  }
0xbb: {  	_ =	swait.ge [sflag:s28], $0x2800  }
0xbc: {  	[sflag:s28] =	ssyncset.done $0x0  }
0xbd: {  	[sflag:s28] =	ssyncadd.s32 $0xFFFFD800  }
0xbe: {  	[hbm4b:s16+s4] =	stream.linear.scatter [tilespmem:s25], [sflag:$0x3], $0x2800, $0x38;
	[tilespmem:$0x1F000] =	vst v63  }
0xbf: {  	_ =	swait.ge [sflag:s2], $0x2800  }
0xc0: {  	[sflag:s2] =	ssyncset.done $0x0  }
0xc1: {  	[sflag:s2] =	ssyncadd.s32 $0xFFFFD800  }
0xc2: {  	[tilespmem:s31], [sflag:$0x2] =	stream.linear.gather [spmem:s17], $0x2800, $0x38;
	[tilespmem:$0x1F000] =	vst v63  }
0xc3: {  	_ =	swait.ge [sflag:s29], $0x2800  }
0xc4: {  	[sflag:s29] =	ssyncset.done $0x0  }
0xc5: {  	[sflag:s29] =	ssyncadd.s32 $0xFFFFD800  }
0xc6: {  	[hbm4b:s18+s4] =	stream.linear.scatter [tilespmem:s31], [sflag:$0x4], $0x2800, $0x38;
	[tilespmem:$0x1F000] =	vst v63  }
0xc7: {  	_ =	swait.ge [sflag:s26], $0x2800  }
0xc8: {  	[sflag:s26] =	ssyncset.done $0x0  }
0xc9: {  	[sflag:s26] =	ssyncadd.s32 $0xFFFFD800  }
0xca: {  	[tilespmem:s25], [sflag:$0x1] =	stream.linear.gather [spmem:s19], $0x2800, $0x38;
	[tilespmem:$0x1F000] =	vst v63  }
0xcb: {  	_ =	swait.ge [sflag:s28], $0x2800  }
0xcc: {  	[sflag:s28] =	ssyncset.done $0x0  }
0xcd: {  	[sflag:s28] =	ssyncadd.s32 $0xFFFFD800  }
0xce: {  	[hbm4b:s20+s4] =	stream.linear.scatter [tilespmem:s25], [sflag:$0x3], $0x2800, $0x38;
	[tilespmem:$0x1F000] =	vst v63  }
0xcf: {  	_ =	swait.ge [sflag:s2], $0x2800  }
0xd0: {  	[sflag:s2] =	ssyncset.done $0x0  }
0xd1: {  	s5 =	simm.s32 @!p1 $0x8F80;
	s6 =	simm.s32 @!p1 $0x2;
	[sflag:s2] =	ssyncadd.s32 $0xFFFFD800  }
0xd2: {  	[tilespmem:s5], [sflag:$0x2] =	stream.linear.gather @!p1 [spmem:s21], $0x2800, $0x38;
	[tilespmem:$0x1F000] =	vst v63  }
0xd3: {  	_ =	swait.ge @!p1 [sflag:s6], $0x2800  }
0xd4: {  	[sflag:s6] =	ssyncset.done @!p1 $0x0  }
0xd5: {  	[sflag:s6] =	ssyncadd.s32 @!p1 $0xFFFFD800;
	s6 =	simm.s32 @!p1 $0x0  }
0xd6: {  	[hbm4b:s22+s6] =	stream.linear.scatter @!p1 [tilespmem:s5], [sflag:$0x4], $0x2800, $0x38;
	[tilespmem:$0x1F000] =	vst v63  }
0xd7: {  	s24 =	sadd.s32 $0x1, s24;
	s5 =	simm.s32 @!p1 $0x3  }
0xd8: {  	p2 =	sne.s32 s24, s23;
	_ =	swait.ge @!p1 [sflag:s5], $0x2800  }
.Ltmp2:
0xd9: {  	s6 =	simm.s32 @!p1 $0x4;
	[sflag:s5] =	ssyncset.done @!p1 $0x0;
	(pc) =	sbr.rel @p2 .LBB2_1-.Ltmp2, $4  }
0xda: {  	s6 =	simm.s32 @p1 $0x3;
	[sflag:s5] =	ssyncadd.s32 @!p1 $0xFFFFD800  }
0xdb: {  	_ =	swait.ge [sflag:s6], $0x2800  }
0xdc: {  	[sflag:s6] =	ssyncset.done $0x0  }
0xdd: {  	[sflag:s6] =	ssyncadd.s32 $0xFFFFD800  }
0xde: {  	_ =	sfence.sel $0x180000  }
0xdf: {  	[bflag:$0x0] =	sbarrier.arrive $0xFFFF  }
0xe0: {  	_ =	strace $0x90000047  }
0xe1: {  	s0 =	stileid.u32;
	[bflag:$0x2] =	sbarrier.arrive $0xFFFF  }
0xe2: {  	p0 =	sne.s32 s0, $0x0;
	s0 =	rddreg [dreg:$0x4]  }
0xe3: {  	s0 =	sadd.s32 @!p0 $0x100000, s0  }
0xe4: {  	[sflag:s0] =	ssyncadd.tile.s32 @!p0 $0x1;
	_ =	shalt  }
.Lfunc_end2:
_tile_overlayer_lowered:
.L_overlay_start_2:
0xe5: {  	(tag) =	ssettag $0x2  }
0xe6: {  	s0 =	rddreg [dreg:$0x0];
	s2 =	stileid.u32  }
0xe7: {  	s1 =	rddreg [dreg:$0x1];
	p0 =	sne.s32 s2, $0x0  }
0xe8: {  	s3 =	rddreg [dreg:$0x2];
	[bflag:$0x3] =	sbarrier.arrive $0xFFFF;
	s2 =	simm.s32 @!p0 $0x1C05  }
0xe9: {  	[timem:s3], [sflag:s2] =	dma.local @!p0 [hbm:s0], s1  }
0xea: {  	s0 =	simm.s32 @!p0 $0x5  }
0xeb: {  	_ =	swait.ge @!p0 [sflag:s0], s1  }
0xec: {  	s1 =	ssub.s32 @!p0 $0x0, s1;
	[sflag:s0] =	ssyncset.done @!p0 $0x0  }
0xed: {  	[sflag:s0] =	ssyncadd.s32 @!p0 s1  }
0xee: {  	[bflag:$0x3] =	sbarrier.arrive $0xFFFF  }
0xef: {  	_ =	shalt  }

</sc_bundles>
